<compile_context>
chip_gen: v7x
topology: tpu7x:2x2x1
jax: 0.10.2.dev20260603
libtpu: 0.0.44.dev20260713+nightly
codegen_flags: <defaults>
</compile_context>

<pallas_src>
import functools

import jax
import jax.numpy as jnp
from jax import lax
from jax.experimental import pallas as pl
from jax.experimental.pallas import tpu as pltpu
from jax.experimental.pallas import tpu_sc as plsc

B, L, V, D = 16384, 200, 8, 2
N = B * L
NUM_WORKERS = 32
LT = L // 8
RT = B // 128
TQ = RT // NUM_WORKERS
NBLK = LT
IN_BLK = TQ * 1024
OUT_ROW = TQ * D * 128
CHUNKS = IN_BLK // 16


def _sc_body(params_hbm, x_hbm, out_hbm,
             xin0, xin1, ov0, ov1, tbl, pe, pw, sems):
    xin = [xin0, xin1]
    ov = [ov0, ov1]
    wid = lax.axis_index("s") * 2 + lax.axis_index("c")

    def _issue_in_first(blk, buf):
        off = (blk * RT + TQ * wid) * 1024
        pltpu.async_copy(x_hbm.at[pl.ds(off, IN_BLK)], xin[buf], sems.at[buf])

    _issue_in_first(0, 0)
    _issue_in_first(1, 1)

    pltpu.sync_copy(params_hbm.at[pl.ds(0, 16)], pe)
    pltpu.sync_copy(params_hbm.at[pl.ds(16, 16)], pw)
    iota = lax.iota(jnp.int32, 16)
    v = iota >> 1
    c = iota & 1
    e0 = plsc.load_gather(pe, [v * 2])
    e1 = plsc.load_gather(pe, [v * 2 + 1])
    w0 = plsc.load_gather(pw, [c * 2])
    w1 = plsc.load_gather(pw, [c * 2 + 1])
    bb = plsc.load_gather(pw, [c + 4])
    tbl[...] = e0 * w0 + e1 * w1 + bb

    def issue_in(blk, buf):
        off = (blk * RT + TQ * wid) * 1024
        pltpu.async_copy(x_hbm.at[pl.ds(off, IN_BLK)], xin[buf], sems.at[buf])

    def wait_in(buf):
        pltpu.make_async_copy(
            x_hbm.at[pl.ds(0, IN_BLK)], xin[buf], sems.at[buf]).wait()

    def issue_out(blk, buf):
        for lm in range(8):
            off = ((8 * blk + lm) * RT + TQ * wid) * (D * 128)
            pltpu.async_copy(ov[buf].at[pl.ds(OUT_ROW * lm, OUT_ROW)],
                             out_hbm.at[pl.ds(off, OUT_ROW)],
                             sems.at[2 + buf])

    def wait_out(buf):
        for lm in range(8):
            pltpu.make_async_copy(
                ov[buf].at[pl.ds(OUT_ROW * lm, OUT_ROW)],
                out_hbm.at[pl.ds(OUT_ROW * lm, OUT_ROW)],
                sems.at[2 + buf]).wait()

    def compute(buf):
        xbuf = xin[buf]
        obuf = ov[buf]

        @plsc.parallel_loop(0, CHUNKS, 1, unroll=8)
        def chunk(ci):
            xv = xbuf[pl.ds(ci * 16, 16)]
            i0 = xv * 2
            g0 = plsc.load_gather(tbl, [i0])
            g1 = plsc.load_gather(tbl, [i0 + 1])
            t = ci >> 6
            kk = ci & 63
            pos = (kk >> 3) * 1024 + t * 256 + (kk & 7) * 16
            obuf[pl.ds(pos, 16)] = g0
            obuf[pl.ds(pos + 128, 16)] = g1

    def body(k, carry):
        b0 = 2 * k

        wait_in(0)

        @pl.when(k > 0)
        def _():
            wait_out(0)

        compute(0)
        issue_out(b0, 0)
        issue_in(b0 + 2, 0)

        wait_in(1)

        @pl.when(k > 0)
        def _():
            wait_out(1)

        compute(1)
        issue_out(b0 + 1, 1)

        @pl.when(k < (NBLK - 1) // 2 - 1)
        def _():
            issue_in(b0 + 3, 1)

        return carry

    lax.fori_loop(0, (NBLK - 1) // 2, body, 0)

    wait_in(0)
    wait_out(0)
    compute(0)
    issue_out(NBLK - 1, 0)
    wait_out(1)
    wait_out(0)


@jax.jit
def _sc_lookup(params, xq):
    mesh = plsc.VectorSubcoreMesh(core_axis_name="c", subcore_axis_name="s")
    f = pl.kernel(
        _sc_body,
        out_type=jax.ShapeDtypeStruct((D * N,), jnp.float32),
        mesh=mesh,
        compiler_params=pltpu.CompilerParams(
            needs_layout_passes=False,
            disable_bounds_checks=True,
            disable_semaphore_checks=True,
            skip_device_barrier=True,
        ),
        scratch_types=[
            pltpu.VMEM((IN_BLK,), jnp.int32),
            pltpu.VMEM((IN_BLK,), jnp.int32),
            pltpu.VMEM((8 * OUT_ROW,), jnp.float32),
            pltpu.VMEM((8 * OUT_ROW,), jnp.float32),
            pltpu.VMEM((16,), jnp.float32),
            pltpu.VMEM((16,), jnp.float32),
            pltpu.VMEM((16,), jnp.float32),
            pltpu.SemaphoreType.DMA((4,)),
        ],
    )
    return f(params, xq)


def kernel(x, emb, W, b):
    params = jnp.concatenate(
        [emb.reshape(-1), W.reshape(-1), b.reshape(-1),
         jnp.zeros((10,), jnp.float32)])
    xq = (x.astype(jnp.int32).T
          .reshape(LT, 8, RT, 128).transpose(0, 2, 1, 3).reshape(-1))
    of = _sc_lookup(params, xq)
    return of.reshape(L, RT, D, 128).transpose(1, 3, 0, 2).reshape(B, L, D)

# --- scband reference (transcript-rebuilt; emitter-appended) ---
"""Pipeline reference for scband-m-41137196761499 (READ-ONLY COPY).

The authoritative reference and input builder live on the scoring server;
editing this copy changes nothing except your own understanding.
"""

import jax, jax.numpy as jnp
import numpy as np


def setup_inputs(seed: int = 0) -> dict:
    key = jax.random.key(seed)
    k1, k2, k3, k4 = jax.random.split(key, 4)
    x = jax.random.randint(k1, (16384, 200), 0, 8)
    emb = jax.random.normal(k2, (8, 2), dtype=jnp.float32)
    W = jax.random.normal(k3, (2, 2), dtype=jnp.float32) * 0.5
    b = jax.random.normal(k4, (2,), dtype=jnp.float32) * 0.1
    return {"x": x, "emb": emb, "W": W, "b": b}


def reference(x, emb, W, b):
    # nn.Embedding lookup: gather rows of the embedding table
    e = jnp.take(emb, x, axis=0)  # [B, L, 2]
    # nn.Linear: y = e @ W.T + b
    out = e @ W.T + b
    return out

if __name__ == "__main__":
    import jax
    _d = setup_inputs()
    print(jax.jit(kernel)(*tuple(_d.values())))

</pallas_src>

<mosaic_0001>
#map = affine_map<(d0, d1) -> (0)>
module attributes {stable_mosaic.version = 14 : i64} {
  func.func @_sc_body(%arg0: i32, %arg1: i32, %arg2: memref<32xf32, #tpu.memory_space<hbm>>, %arg3: memref<3276800xi32, #tpu.memory_space<hbm>>, %arg4: memref<6553600xf32, #tpu.memory_space<hbm>>, %arg5: memref<4096xi32, #tpu.memory_space<vmem>>, %arg6: memref<4096xi32, #tpu.memory_space<vmem>>, %arg7: memref<8192xf32, #tpu.memory_space<vmem>>, %arg8: memref<8192xf32, #tpu.memory_space<vmem>>, %arg9: memref<16xf32, #tpu.memory_space<vmem>>, %arg10: memref<16xf32, #tpu.memory_space<vmem>>, %arg11: memref<16xf32, #tpu.memory_space<vmem>>, %arg12: memref<4x!tpu.dma_semaphore, #tpu.memory_space<semaphore_mem>>) attributes {dimension_semantics = [#tpu.dimension_semantics<core_parallel>, #tpu.dimension_semantics<subcore_parallel>], iteration_bounds = array<i64: 2, 16>, scalar_prefetch = 0 : i64, scratch_operands = 8 : i64, tpu.core_type = #tpu.core_type<sc_vector_subcore>, window_params = [{transform_indices = #map}, {transform_indices = #map}, {transform_indices = #map}]} {
    %mul3A = arith.constant 2 : i32
    %mul3A_0 = arith.muli %arg1, %mul3A : i32
    %add3A = arith.addi %mul3A_0, %arg0 : i32
    %mul3A_1 = arith.constant 4 : i32
    %mul3A_2 = arith.muli %mul3A_1, %add3A : i32
    %add3A_3 = arith.constant 0 : i32
    %add3A_4 = arith.addi %add3A_3, %mul3A_2 : i32
    %mul3A_5 = arith.constant 1024 : i32
    %mul3A_6 = arith.muli %add3A_4, %mul3A_5 : i32
    %dma_start3A = arith.constant 0 : i32
    %dma_start3A_7 = tpu.memref_slice %arg3[%mul3A_6] : memref<3276800xi32, #tpu.memory_space<hbm>> -> memref<4096xi32, #tpu.memory_space<hbm>>
    %dma_start3A_8 = tpu.memref_slice %arg12[%dma_start3A] : memref<4x!tpu.dma_semaphore, #tpu.memory_space<semaphore_mem>> -> memref<1x!tpu.dma_semaphore, #tpu.memory_space<semaphore_mem>>
    %dma_start3A_9 = tpu.memref_squeeze %dma_start3A_8 : memref<1x!tpu.dma_semaphore, #tpu.memory_space<semaphore_mem>> -> memref<!tpu.dma_semaphore, #tpu.memory_space<semaphore_mem>>
    %dma_start3A_10 = tpu.memref_slice %arg3[%mul3A_6] : memref<3276800xi32, #tpu.memory_space<hbm>> -> memref<4096xi32, #tpu.memory_space<hbm>>
    tpu.enqueue_dma source(%dma_start3A_10 : memref<4096xi32, #tpu.memory_space<hbm>>) target(%arg5 : memref<4096xi32, #tpu.memory_space<vmem>>) target_semaphore(%dma_start3A_9 : memref<!tpu.dma_semaphore, #tpu.memory_space<semaphore_mem>>)
    %mul3A_11 = arith.constant 4 : i32
    %mul3A_12 = arith.muli %mul3A_11, %add3A : i32
    %add3A_13 = arith.constant 128 : i32
    %add3A_14 = arith.addi %add3A_13, %mul3A_12 : i32
    %mul3A_15 = arith.constant 1024 : i32
    %mul3A_16 = arith.muli %add3A_14, %mul3A_15 : i32
    %dma_start3A_17 = arith.constant 1 : i32
    %dma_start3A_18 = tpu.memref_slice %arg3[%mul3A_16] : memref<3276800xi32, #tpu.memory_space<hbm>> -> memref<4096xi32, #tpu.memory_space<hbm>>
    %dma_start3A_19 = tpu.memref_slice %arg12[%dma_start3A_17] : memref<4x!tpu.dma_semaphore, #tpu.memory_space<semaphore_mem>> -> memref<1x!tpu.dma_semaphore, #tpu.memory_space<semaphore_mem>>
    %dma_start3A_20 = tpu.memref_squeeze %dma_start3A_19 : memref<1x!tpu.dma_semaphore, #tpu.memory_space<semaphore_mem>> -> memref<!tpu.dma_semaphore, #tpu.memory_space<semaphore_mem>>
    %dma_start3A_21 = tpu.memref_slice %arg3[%mul3A_16] : memref<3276800xi32, #tpu.memory_space<hbm>> -> memref<4096xi32, #tpu.memory_space<hbm>>
    tpu.enqueue_dma source(%dma_start3A_21 : memref<4096xi32, #tpu.memory_space<hbm>>) target(%arg6 : memref<4096xi32, #tpu.memory_space<vmem>>) target_semaphore(%dma_start3A_20 : memref<!tpu.dma_semaphore, #tpu.memory_space<semaphore_mem>>)
    "tpu.region"() ({
      %run_scoped3A = tpu.sem_alloc : memref<!tpu.dma_semaphore, #tpu.memory_space<semaphore_mem>>
      %dma_start3A_453 = arith.constant 0 : i32
      %dma_start3A_454 = tpu.memref_slice %arg2[%dma_start3A_453] : memref<32xf32, #tpu.memory_space<hbm>> -> memref<16xf32, #tpu.memory_space<hbm>>
      %dma_start3A_455 = arith.constant 0 : i32
      %dma_start3A_456 = tpu.memref_slice %arg2[%dma_start3A_455] : memref<32xf32, #tpu.memory_space<hbm>> -> memref<16xf32, #tpu.memory_space<hbm>>
      tpu.enqueue_dma source(%dma_start3A_456 : memref<16xf32, #tpu.memory_space<hbm>>) target(%arg10 : memref<16xf32, #tpu.memory_space<vmem>>) target_semaphore(%run_scoped3A : memref<!tpu.dma_semaphore, #tpu.memory_space<semaphore_mem>>)
      %dma_wait3A_457 = arith.constant 0 : i32
      %dma_wait3A_458 = tpu.memref_slice %arg2[%dma_wait3A_457] : memref<32xf32, #tpu.memory_space<hbm>> -> memref<16xf32, #tpu.memory_space<hbm>>
      %dma_wait3A_459 = arith.constant 0 : i32
      %dma_wait3A_460 = tpu.memref_slice %arg2[%dma_wait3A_459] : memref<32xf32, #tpu.memory_space<hbm>> -> memref<16xf32, #tpu.memory_space<hbm>>
      tpu.wait_dma2 semaphore(%run_scoped3A : memref<!tpu.dma_semaphore, #tpu.memory_space<semaphore_mem>>) src(%dma_wait3A_460 : memref<16xf32, #tpu.memory_space<hbm>>) dst(%arg10 : memref<16xf32, #tpu.memory_space<vmem>>)
      tpu.yield
    }) : () -> ()
    "tpu.region"() ({
      %run_scoped3A = tpu.sem_alloc : memref<!tpu.dma_semaphore, #tpu.memory_space<semaphore_mem>>
      %dma_start3A_453 = arith.constant 16 : i32
      %dma_start3A_454 = tpu.memref_slice %arg2[%dma_start3A_453] : memref<32xf32, #tpu.memory_space<hbm>> -> memref<16xf32, #tpu.memory_space<hbm>>
      %dma_start3A_455 = arith.constant 16 : i32
      %dma_start3A_456 = tpu.memref_slice %arg2[%dma_start3A_455] : memref<32xf32, #tpu.memory_space<hbm>> -> memref<16xf32, #tpu.memory_space<hbm>>
      tpu.enqueue_dma source(%dma_start3A_456 : memref<16xf32, #tpu.memory_space<hbm>>) target(%arg11 : memref<16xf32, #tpu.memory_space<vmem>>) target_semaphore(%run_scoped3A : memref<!tpu.dma_semaphore, #tpu.memory_space<semaphore_mem>>)
      %dma_wait3A_457 = arith.constant 16 : i32
      %dma_wait3A_458 = tpu.memref_slice %arg2[%dma_wait3A_457] : memref<32xf32, #tpu.memory_space<hbm>> -> memref<16xf32, #tpu.memory_space<hbm>>
      %dma_wait3A_459 = arith.constant 16 : i32
      %dma_wait3A_460 = tpu.memref_slice %arg2[%dma_wait3A_459] : memref<32xf32, #tpu.memory_space<hbm>> -> memref<16xf32, #tpu.memory_space<hbm>>
      tpu.wait_dma2 semaphore(%run_scoped3A : memref<!tpu.dma_semaphore, #tpu.memory_space<semaphore_mem>>) src(%dma_wait3A_460 : memref<16xf32, #tpu.memory_space<hbm>>) dst(%arg11 : memref<16xf32, #tpu.memory_space<vmem>>)
      tpu.yield
    }) : () -> ()
    %iota3A = tpu.iota {dimensions = array<i32: 0>} : vector<16xi32>
    %shift_right_arithmetic3A = arith.constant 1 : i32
    %shift_right_arithmetic3A_22 = vector.broadcast %shift_right_arithmetic3A : i32 to vector<16xi32>
    %shift_right_arithmetic3A_23 = arith.shrsi %iota3A, %shift_right_arithmetic3A_22 : vector<16xi32>
    %and3A = arith.constant 1 : i32
    %and3A_24 = vector.broadcast %and3A : i32 to vector<16xi32>
    %and3A_25 = arith.andi %iota3A, %and3A_24 : vector<16xi32>
    %mul3A_26 = arith.constant 2 : i32
    %mul3A_27 = vector.broadcast %mul3A_26 : i32 to vector<16xi32>
    %mul3A_28 = arith.muli %shift_right_arithmetic3A_23, %mul3A_27 : vector<16xi32>
    %gather3A = tpu.vector_load_idx %arg10[%mul3A_28] : memref<16xf32, #tpu.memory_space<vmem>>[vector<16xi32>], vector<16xf32>,
    %mul3A_29 = arith.constant 2 : i32
    %mul3A_30 = vector.broadcast %mul3A_29 : i32 to vector<16xi32>
    %mul3A_31 = arith.muli %shift_right_arithmetic3A_23, %mul3A_30 : vector<16xi32>
    %add3A_32 = arith.constant 1 : i32
    %add3A_33 = vector.broadcast %add3A_32 : i32 to vector<16xi32>
    %add3A_34 = arith.addi %mul3A_31, %add3A_33 : vector<16xi32>
    %gather3A_35 = tpu.vector_load_idx %arg10[%add3A_34] : memref<16xf32, #tpu.memory_space<vmem>>[vector<16xi32>], vector<16xf32>,
    %mul3A_36 = arith.constant 2 : i32
    %mul3A_37 = vector.broadcast %mul3A_36 : i32 to vector<16xi32>
    %mul3A_38 = arith.muli %and3A_25, %mul3A_37 : vector<16xi32>
    %gather3A_39 = tpu.vector_load_idx %arg11[%mul3A_38] : memref<16xf32, #tpu.memory_space<vmem>>[vector<16xi32>], vector<16xf32>,
    %mul3A_40 = arith.constant 2 : i32
    %mul3A_41 = vector.broadcast %mul3A_40 : i32 to vector<16xi32>
    %mul3A_42 = arith.muli %and3A_25, %mul3A_41 : vector<16xi32>
    %add3A_43 = arith.constant 1 : i32
    %add3A_44 = vector.broadcast %add3A_43 : i32 to vector<16xi32>
    %add3A_45 = arith.addi %mul3A_42, %add3A_44 : vector<16xi32>
    %gather3A_46 = tpu.vector_load_idx %arg11[%add3A_45] : memref<16xf32, #tpu.memory_space<vmem>>[vector<16xi32>], vector<16xf32>,
    %add3A_47 = arith.constant 4 : i32
    %add3A_48 = vector.broadcast %add3A_47 : i32 to vector<16xi32>
    %add3A_49 = arith.addi %and3A_25, %add3A_48 : vector<16xi32>
    %gather3A_50 = tpu.vector_load_idx %arg11[%add3A_49] : memref<16xf32, #tpu.memory_space<vmem>>[vector<16xi32>], vector<16xf32>,
    %mul3A_51 = arith.mulf %gather3A, %gather3A_39 : vector<16xf32>
    %mul3A_52 = arith.mulf %gather3A_35, %gather3A_46 : vector<16xf32>
    %add3A_53 = arith.addf %mul3A_51, %mul3A_52 : vector<16xf32>
    %add3A_54 = arith.addf %add3A_53, %gather3A_50 : vector<16xf32>
    %swap3A = arith.constant 0 : index
    %swap3A_55 = tpu.vector_load %arg9[%swap3A] {strides = array<i32>} : memref<16xf32, #tpu.memory_space<vmem>>, vector<16xf32>,
    tpu.vector_store %arg9[%swap3A], %add3A_54 {strides = array<i32>} : memref<16xf32, #tpu.memory_space<vmem>>, vector<16xf32>,
    %scan3A = arith.constant 0 : i32
    %scan3A_56 = arith.constant 0 : i32
    %scan3A_57 = arith.constant 12 : i32
    %scan3A_58 = arith.addi %scan3A_56, %scan3A_57 : i32
    %scan3A_59 = arith.constant 1 : i32
    scf.for %scan3A_453 = %scan3A_56 to %scan3A_58 step %scan3A_59  : i32 {
      %mul3A_454 = arith.constant 2 : i32
      %mul3A_455 = arith.muli %mul3A_454, %scan3A_453 : i32
      %dma_wait3A_456 = arith.constant 0 : i32
      %dma_wait3A_457 = arith.constant 0 : i32
      %dma_wait3A_458 = tpu.memref_slice %arg3[%dma_wait3A_457] : memref<3276800xi32, #tpu.memory_space<hbm>> -> memref<4096xi32, #tpu.memory_space<hbm>>
      %dma_wait3A_459 = tpu.memref_slice %arg12[%dma_wait3A_456] : memref<4x!tpu.dma_semaphore, #tpu.memory_space<semaphore_mem>> -> memref<1x!tpu.dma_semaphore, #tpu.memory_space<semaphore_mem>>
      %dma_wait3A_460 = tpu.memref_squeeze %dma_wait3A_459 : memref<1x!tpu.dma_semaphore, #tpu.memory_space<semaphore_mem>> -> memref<!tpu.dma_semaphore, #tpu.memory_space<semaphore_mem>>
      %dma_wait3A_461 = arith.constant 0 : i32
      %dma_wait3A_462 = tpu.memref_slice %arg3[%dma_wait3A_461] : memref<3276800xi32, #tpu.memory_space<hbm>> -> memref<4096xi32, #tpu.memory_space<hbm>>
      tpu.wait_dma2 semaphore(%dma_wait3A_460 : memref<!tpu.dma_semaphore, #tpu.memory_space<semaphore_mem>>) src(%dma_wait3A_462 : memref<4096xi32, #tpu.memory_space<hbm>>) dst(%arg5 : memref<4096xi32, #tpu.memory_space<vmem>>)
      %gt3A = arith.constant 0 : i32
      %gt3A_463 = arith.cmpi sgt, %scan3A_453, %gt3A : i32
      %convert_element_type3A = arith.extui %gt3A_463 : i1 to i32
      %cond3A = arith.constant 0 : i32
      %cond3A_464 = arith.cmpi ne, %convert_element_type3A, %cond3A : i32
      scf.if %cond3A_464 {
        %dma_wait3A_823 = arith.constant 2 : i32
        %dma_wait3A_824 = arith.constant 0 : i32
        %dma_wait3A_825 = tpu.memref_slice %arg7[%dma_wait3A_824] : memref<8192xf32, #tpu.memory_space<vmem>> -> memref<1024xf32, #tpu.memory_space<vmem>>
        %dma_wait3A_826 = arith.constant 0 : i32
        %dma_wait3A_827 = tpu.memref_slice %arg4[%dma_wait3A_826] : memref<6553600xf32, #tpu.memory_space<hbm>> -> memref<1024xf32, #tpu.memory_space<hbm>>
        %dma_wait3A_828 = tpu.memref_slice %arg12[%dma_wait3A_823] : memref<4x!tpu.dma_semaphore, #tpu.memory_space<semaphore_mem>> -> memref<1x!tpu.dma_semaphore, #tpu.memory_space<semaphore_mem>>
        %dma_wait3A_829 = tpu.memref_squeeze %dma_wait3A_828 : memref<1x!tpu.dma_semaphore, #tpu.memory_space<semaphore_mem>> -> memref<!tpu.dma_semaphore, #tpu.memory_space<semaphore_mem>>
        %dma_wait3A_830 = arith.constant 0 : i32
        %dma_wait3A_831 = tpu.memref_slice %arg4[%dma_wait3A_830] : memref<6553600xf32, #tpu.memory_space<hbm>> -> memref<1024xf32, #tpu.memory_space<hbm>>
        %dma_wait3A_832 = arith.constant 0 : i32
        %dma_wait3A_833 = tpu.memref_slice %arg7[%dma_wait3A_832] : memref<8192xf32, #tpu.memory_space<vmem>> -> memref<1024xf32, #tpu.memory_space<vmem>>
        tpu.wait_dma2 semaphore(%dma_wait3A_829 : memref<!tpu.dma_semaphore, #tpu.memory_space<semaphore_mem>>) src(%dma_wait3A_833 : memref<1024xf32, #tpu.memory_space<vmem>>) dst(%dma_wait3A_831 : memref<1024xf32, #tpu.memory_space<hbm>>)
        %dma_wait3A_834 = arith.constant 2 : i32
        %dma_wait3A_835 = arith.constant 1024 : i32
        %dma_wait3A_836 = tpu.memref_slice %arg7[%dma_wait3A_835] : memref<8192xf32, #tpu.memory_space<vmem>> -> memref<1024xf32, #tpu.memory_space<vmem>>
        %dma_wait3A_837 = arith.constant 1024 : i32
        %dma_wait3A_838 = tpu.memref_slice %arg4[%dma_wait3A_837] : memref<6553600xf32, #tpu.memory_space<hbm>> -> memref<1024xf32, #tpu.memory_space<hbm>>
        %dma_wait3A_839 = tpu.memref_slice %arg12[%dma_wait3A_834] : memref<4x!tpu.dma_semaphore, #tpu.memory_space<semaphore_mem>> -> memref<1x!tpu.dma_semaphore, #tpu.memory_space<semaphore_mem>>
        %dma_wait3A_840 = tpu.memref_squeeze %dma_wait3A_839 : memref<1x!tpu.dma_semaphore, #tpu.memory_space<semaphore_mem>> -> memref<!tpu.dma_semaphore, #tpu.memory_space<semaphore_mem>>
        %dma_wait3A_841 = arith.constant 1024 : i32
        %dma_wait3A_842 = tpu.memref_slice %arg4[%dma_wait3A_841] : memref<6553600xf32, #tpu.memory_space<hbm>> -> memref<1024xf32, #tpu.memory_space<hbm>>
        %dma_wait3A_843 = arith.constant 1024 : i32
        %dma_wait3A_844 = tpu.memref_slice %arg7[%dma_wait3A_843] : memref<8192xf32, #tpu.memory_space<vmem>> -> memref<1024xf32, #tpu.memory_space<vmem>>
        tpu.wait_dma2 semaphore(%dma_wait3A_840 : memref<!tpu.dma_semaphore, #tpu.memory_space<semaphore_mem>>) src(%dma_wait3A_844 : memref<1024xf32, #tpu.memory_space<vmem>>) dst(%dma_wait3A_842 : memref<1024xf32, #tpu.memory_space<hbm>>)
        %dma_wait3A_845 = arith.constant 2 : i32
        %dma_wait3A_846 = arith.constant 2048 : i32
        %dma_wait3A_847 = tpu.memref_slice %arg7[%dma_wait3A_846] : memref<8192xf32, #tpu.memory_space<vmem>> -> memref<1024xf32, #tpu.memory_space<vmem>>
        %dma_wait3A_848 = arith.constant 2048 : i32
        %dma_wait3A_849 = tpu.memref_slice %arg4[%dma_wait3A_848] : memref<6553600xf32, #tpu.memory_space<hbm>> -> memref<1024xf32, #tpu.memory_space<hbm>>
        %dma_wait3A_850 = tpu.memref_slice %arg12[%dma_wait3A_845] : memref<4x!tpu.dma_semaphore, #tpu.memory_space<semaphore_mem>> -> memref<1x!tpu.dma_semaphore, #tpu.memory_space<semaphore_mem>>
        %dma_wait3A_851 = tpu.memref_squeeze %dma_wait3A_850 : memref<1x!tpu.dma_semaphore, #tpu.memory_space<semaphore_mem>> -> memref<!tpu.dma_semaphore, #tpu.memory_space<semaphore_mem>>
        %dma_wait3A_852 = arith.constant 2048 : i32
        %dma_wait3A_853 = tpu.memref_slice %arg4[%dma_wait3A_852] : memref<6553600xf32, #tpu.memory_space<hbm>> -> memref<1024xf32, #tpu.memory_space<hbm>>
        %dma_wait3A_854 = arith.constant 2048 : i32
        %dma_wait3A_855 = tpu.memref_slice %arg7[%dma_wait3A_854] : memref<8192xf32, #tpu.memory_space<vmem>> -> memref<1024xf32, #tpu.memory_space<vmem>>
        tpu.wait_dma2 semaphore(%dma_wait3A_851 : memref<!tpu.dma_semaphore, #tpu.memory_space<semaphore_mem>>) src(%dma_wait3A_855 : memref<1024xf32, #tpu.memory_space<vmem>>) dst(%dma_wait3A_853 : memref<1024xf32, #tpu.memory_space<hbm>>)
        %dma_wait3A_856 = arith.constant 2 : i32
        %dma_wait3A_857 = arith.constant 3072 : i32
        %dma_wait3A_858 = tpu.memref_slice %arg7[%dma_wait3A_857] : memref<8192xf32, #tpu.memory_space<vmem>> -> memref<1024xf32, #tpu.memory_space<vmem>>
        %dma_wait3A_859 = arith.constant 3072 : i32
        %dma_wait3A_860 = tpu.memref_slice %arg4[%dma_wait3A_859] : memref<6553600xf32, #tpu.memory_space<hbm>> -> memref<1024xf32, #tpu.memory_space<hbm>>
        %dma_wait3A_861 = tpu.memref_slice %arg12[%dma_wait3A_856] : memref<4x!tpu.dma_semaphore, #tpu.memory_space<semaphore_mem>> -> memref<1x!tpu.dma_semaphore, #tpu.memory_space<semaphore_mem>>
        %dma_wait3A_862 = tpu.memref_squeeze %dma_wait3A_861 : memref<1x!tpu.dma_semaphore, #tpu.memory_space<semaphore_mem>> -> memref<!tpu.dma_semaphore, #tpu.memory_space<semaphore_mem>>
        %dma_wait3A_863 = arith.constant 3072 : i32
        %dma_wait3A_864 = tpu.memref_slice %arg4[%dma_wait3A_863] : memref<6553600xf32, #tpu.memory_space<hbm>> -> memref<1024xf32, #tpu.memory_space<hbm>>
        %dma_wait3A_865 = arith.constant 3072 : i32
        %dma_wait3A_866 = tpu.memref_slice %arg7[%dma_wait3A_865] : memref<8192xf32, #tpu.memory_space<vmem>> -> memref<1024xf32, #tpu.memory_space<vmem>>
        tpu.wait_dma2 semaphore(%dma_wait3A_862 : memref<!tpu.dma_semaphore, #tpu.memory_space<semaphore_mem>>) src(%dma_wait3A_866 : memref<1024xf32, #tpu.memory_space<vmem>>) dst(%dma_wait3A_864 : memref<1024xf32, #tpu.memory_space<hbm>>)
        %dma_wait3A_867 = arith.constant 2 : i32
        %dma_wait3A_868 = arith.constant 4096 : i32
        %dma_wait3A_869 = tpu.memref_slice %arg7[%dma_wait3A_868] : memref<8192xf32, #tpu.memory_space<vmem>> -> memref<1024xf32, #tpu.memory_space<vmem>>
        %dma_wait3A_870 = arith.constant 4096 : i32
        %dma_wait3A_871 = tpu.memref_slice %arg4[%dma_wait3A_870] : memref<6553600xf32, #tpu.memory_space<hbm>> -> memref<1024xf32, #tpu.memory_space<hbm>>
        %dma_wait3A_872 = tpu.memref_slice %arg12[%dma_wait3A_867] : memref<4x!tpu.dma_semaphore, #tpu.memory_space<semaphore_mem>> -> memref<1x!tpu.dma_semaphore, #tpu.memory_space<semaphore_mem>>
        %dma_wait3A_873 = tpu.memref_squeeze %dma_wait3A_872 : memref<1x!tpu.dma_semaphore, #tpu.memory_space<semaphore_mem>> -> memref<!tpu.dma_semaphore, #tpu.memory_space<semaphore_mem>>
        %dma_wait3A_874 = arith.constant 4096 : i32
        %dma_wait3A_875 = tpu.memref_slice %arg4[%dma_wait3A_874] : memref<6553600xf32, #tpu.memory_space<hbm>> -> memref<1024xf32, #tpu.memory_space<hbm>>
        %dma_wait3A_876 = arith.constant 4096 : i32
        %dma_wait3A_877 = tpu.memref_slice %arg7[%dma_wait3A_876] : memref<8192xf32, #tpu.memory_space<vmem>> -> memref<1024xf32, #tpu.memory_space<vmem>>
        tpu.wait_dma2 semaphore(%dma_wait3A_873 : memref<!tpu.dma_semaphore, #tpu.memory_space<semaphore_mem>>) src(%dma_wait3A_877 : memref<1024xf32, #tpu.memory_space<vmem>>) dst(%dma_wait3A_875 : memref<1024xf32, #tpu.memory_space<hbm>>)
        %dma_wait3A_878 = arith.constant 2 : i32
        %dma_wait3A_879 = arith.constant 5120 : i32
        %dma_wait3A_880 = tpu.memref_slice %arg7[%dma_wait3A_879] : memref<8192xf32, #tpu.memory_space<vmem>> -> memref<1024xf32, #tpu.memory_space<vmem>>
        %dma_wait3A_881 = arith.constant 5120 : i32
        %dma_wait3A_882 = tpu.memref_slice %arg4[%dma_wait3A_881] : memref<6553600xf32, #tpu.memory_space<hbm>> -> memref<1024xf32, #tpu.memory_space<hbm>>
        %dma_wait3A_883 = tpu.memref_slice %arg12[%dma_wait3A_878] : memref<4x!tpu.dma_semaphore, #tpu.memory_space<semaphore_mem>> -> memref<1x!tpu.dma_semaphore, #tpu.memory_space<semaphore_mem>>
        %dma_wait3A_884 = tpu.memref_squeeze %dma_wait3A_883 : memref<1x!tpu.dma_semaphore, #tpu.memory_space<semaphore_mem>> -> memref<!tpu.dma_semaphore, #tpu.memory_space<semaphore_mem>>
        %dma_wait3A_885 = arith.constant 5120 : i32
        %dma_wait3A_886 = tpu.memref_slice %arg4[%dma_wait3A_885] : memref<6553600xf32, #tpu.memory_space<hbm>> -> memref<1024xf32, #tpu.memory_space<hbm>>
        %dma_wait3A_887 = arith.constant 5120 : i32
        %dma_wait3A_888 = tpu.memref_slice %arg7[%dma_wait3A_887] : memref<8192xf32, #tpu.memory_space<vmem>> -> memref<1024xf32, #tpu.memory_space<vmem>>
        tpu.wait_dma2 semaphore(%dma_wait3A_884 : memref<!tpu.dma_semaphore, #tpu.memory_space<semaphore_mem>>) src(%dma_wait3A_888 : memref<1024xf32, #tpu.memory_space<vmem>>) dst(%dma_wait3A_886 : memref<1024xf32, #tpu.memory_space<hbm>>)
        %dma_wait3A_889 = arith.constant 2 : i32
        %dma_wait3A_890 = arith.constant 6144 : i32
        %dma_wait3A_891 = tpu.memref_slice %arg7[%dma_wait3A_890] : memref<8192xf32, #tpu.memory_space<vmem>> -> memref<1024xf32, #tpu.memory_space<vmem>>
        %dma_wait3A_892 = arith.constant 6144 : i32
        %dma_wait3A_893 = tpu.memref_slice %arg4[%dma_wait3A_892] : memref<6553600xf32, #tpu.memory_space<hbm>> -> memref<1024xf32, #tpu.memory_space<hbm>>
        %dma_wait3A_894 = tpu.memref_slice %arg12[%dma_wait3A_889] : memref<4x!tpu.dma_semaphore, #tpu.memory_space<semaphore_mem>> -> memref<1x!tpu.dma_semaphore, #tpu.memory_space<semaphore_mem>>
        %dma_wait3A_895 = tpu.memref_squeeze %dma_wait3A_894 : memref<1x!tpu.dma_semaphore, #tpu.memory_space<semaphore_mem>> -> memref<!tpu.dma_semaphore, #tpu.memory_space<semaphore_mem>>
        %dma_wait3A_896 = arith.constant 6144 : i32
        %dma_wait3A_897 = tpu.memref_slice %arg4[%dma_wait3A_896] : memref<6553600xf32, #tpu.memory_space<hbm>> -> memref<1024xf32, #tpu.memory_space<hbm>>
        %dma_wait3A_898 = arith.constant 6144 : i32
        %dma_wait3A_899 = tpu.memref_slice %arg7[%dma_wait3A_898] : memref<8192xf32, #tpu.memory_space<vmem>> -> memref<1024xf32, #tpu.memory_space<vmem>>
        tpu.wait_dma2 semaphore(%dma_wait3A_895 : memref<!tpu.dma_semaphore, #tpu.memory_space<semaphore_mem>>) src(%dma_wait3A_899 : memref<1024xf32, #tpu.memory_space<vmem>>) dst(%dma_wait3A_897 : memref<1024xf32, #tpu.memory_space<hbm>>)
        %dma_wait3A_900 = arith.constant 2 : i32
        %dma_wait3A_901 = arith.constant 7168 : i32
        %dma_wait3A_902 = tpu.memref_slice %arg7[%dma_wait3A_901] : memref<8192xf32, #tpu.memory_space<vmem>> -> memref<1024xf32, #tpu.memory_space<vmem>>
        %dma_wait3A_903 = arith.constant 7168 : i32
        %dma_wait3A_904 = tpu.memref_slice %arg4[%dma_wait3A_903] : memref<6553600xf32, #tpu.memory_space<hbm>> -> memref<1024xf32, #tpu.memory_space<hbm>>
        %dma_wait3A_905 = tpu.memref_slice %arg12[%dma_wait3A_900] : memref<4x!tpu.dma_semaphore, #tpu.memory_space<semaphore_mem>> -> memref<1x!tpu.dma_semaphore, #tpu.memory_space<semaphore_mem>>
        %dma_wait3A_906 = tpu.memref_squeeze %dma_wait3A_905 : memref<1x!tpu.dma_semaphore, #tpu.memory_space<semaphore_mem>> -> memref<!tpu.dma_semaphore, #tpu.memory_space<semaphore_mem>>
        %dma_wait3A_907 = arith.constant 7168 : i32
        %dma_wait3A_908 = tpu.memref_slice %arg4[%dma_wait3A_907] : memref<6553600xf32, #tpu.memory_space<hbm>> -> memref<1024xf32, #tpu.memory_space<hbm>>
        %dma_wait3A_909 = arith.constant 7168 : i32
        %dma_wait3A_910 = tpu.memref_slice %arg7[%dma_wait3A_909] : memref<8192xf32, #tpu.memory_space<vmem>> -> memref<1024xf32, #tpu.memory_space<vmem>>
        tpu.wait_dma2 semaphore(%dma_wait3A_906 : memref<!tpu.dma_semaphore, #tpu.memory_space<semaphore_mem>>) src(%dma_wait3A_910 : memref<1024xf32, #tpu.memory_space<vmem>>) dst(%dma_wait3A_908 : memref<1024xf32, #tpu.memory_space<hbm>>)
      } else {
      }
      %parallel_loop3A_465 = arith.constant 0 : i32
      %parallel_loop3A_466 = arith.constant 256 : i32
      %parallel_loop3A_467 = arith.constant 1 : i32
      scf.for %parallel_loop3A_823 = %parallel_loop3A_465 to %parallel_loop3A_466 step %parallel_loop3A_467  : i32 {
        %parallel_loop3A_824 = arith.constant 16 : i32
        %parallel_loop3A_825 = arith.muli %parallel_loop3A_823, %parallel_loop3A_824 : i32
        %parallel_loop3A_826 = arith.index_cast %parallel_loop3A_825 : i32 to index
        %parallel_loop3A_827 = tpu.vector_load %arg5[%parallel_loop3A_826] {strides = array<i32>} : memref<4096xi32, #tpu.memory_space<vmem>>, vector<16xi32>,
        %parallel_loop3A_828 = arith.constant 2 : i32
        %parallel_loop3A_829 = vector.broadcast %parallel_loop3A_828 : i32 to vector<16xi32>
        %parallel_loop3A_830 = arith.muli %parallel_loop3A_827, %parallel_loop3A_829 : vector<16xi32>
        %parallel_loop3A_831 = tpu.vector_load_idx %arg9[%parallel_loop3A_830] : memref<16xf32, #tpu.memory_space<vmem>>[vector<16xi32>], vector<16xf32>,
        %parallel_loop3A_832 = arith.constant 1 : i32
        %parallel_loop3A_833 = vector.broadcast %parallel_loop3A_832 : i32 to vector<16xi32>
        %parallel_loop3A_834 = arith.addi %parallel_loop3A_830, %parallel_loop3A_833 : vector<16xi32>
        %parallel_loop3A_835 = tpu.vector_load_idx %arg9[%parallel_loop3A_834] : memref<16xf32, #tpu.memory_space<vmem>>[vector<16xi32>], vector<16xf32>,
        %parallel_loop3A_836 = arith.constant 6 : i32
        %parallel_loop3A_837 = arith.shrsi %parallel_loop3A_823, %parallel_loop3A_836 : i32
        %parallel_loop3A_838 = arith.constant 63 : i32
        %parallel_loop3A_839 = arith.andi %parallel_loop3A_823, %parallel_loop3A_838 : i32
        %parallel_loop3A_840 = arith.constant 3 : i32
        %parallel_loop3A_841 = arith.shrsi %parallel_loop3A_839, %parallel_loop3A_840 : i32
        %parallel_loop3A_842 = arith.constant 1024 : i32
        %parallel_loop3A_843 = arith.muli %parallel_loop3A_841, %parallel_loop3A_842 : i32
        %parallel_loop3A_844 = arith.constant 256 : i32
        %parallel_loop3A_845 = arith.muli %parallel_loop3A_837, %parallel_loop3A_844 : i32
        %parallel_loop3A_846 = arith.addi %parallel_loop3A_843, %parallel_loop3A_845 : i32
        %parallel_loop3A_847 = arith.constant 7 : i32
        %parallel_loop3A_848 = arith.andi %parallel_loop3A_839, %parallel_loop3A_847 : i32
        %parallel_loop3A_849 = arith.constant 16 : i32
        %parallel_loop3A_850 = arith.muli %parallel_loop3A_848, %parallel_loop3A_849 : i32
        %parallel_loop3A_851 = arith.addi %parallel_loop3A_846, %parallel_loop3A_850 : i32
        %parallel_loop3A_852 = arith.index_cast %parallel_loop3A_851 : i32 to index
        %parallel_loop3A_853 = tpu.vector_load %arg7[%parallel_loop3A_852] {strides = array<i32>} : memref<8192xf32, #tpu.memory_space<vmem>>, vector<16xf32>,
        tpu.vector_store %arg7[%parallel_loop3A_852], %parallel_loop3A_831 {strides = array<i32>} : memref<8192xf32, #tpu.memory_space<vmem>>, vector<16xf32>,
        %parallel_loop3A_854 = arith.constant 128 : i32
        %parallel_loop3A_855 = arith.addi %parallel_loop3A_851, %parallel_loop3A_854 : i32
        %parallel_loop3A_856 = arith.index_cast %parallel_loop3A_855 : i32 to index
        %parallel_loop3A_857 = tpu.vector_load %arg7[%parallel_loop3A_856] {strides = array<i32>} : memref<8192xf32, #tpu.memory_space<vmem>>, vector<16xf32>,
        tpu.vector_store %arg7[%parallel_loop3A_856], %parallel_loop3A_835 {strides = array<i32>} : memref<8192xf32, #tpu.memory_space<vmem>>, vector<16xf32>,
      } {sc.loop_unroll_factor = 8 : i64, sc.parallel_access}
      %mul3A_468 = arith.constant 8 : i32
      %mul3A_469 = arith.muli %mul3A_468, %mul3A_455 : i32
      %add3A_470 = arith.constant 0 : i32
      %add3A_471 = arith.addi %mul3A_469, %add3A_470 : i32
      %mul3A_472 = arith.constant 128 : i32
      %mul3A_473 = arith.muli %add3A_471, %mul3A_472 : i32
      %mul3A_474 = arith.constant 4 : i32
      %mul3A_475 = arith.muli %mul3A_474, %add3A : i32
      %add3A_476 = arith.addi %mul3A_473, %mul3A_475 : i32
      %mul3A_477 = arith.constant 256 : i32
      %mul3A_478 = arith.muli %add3A_476, %mul3A_477 : i32
      %dma_start3A_479 = arith.constant 2 : i32
      %dma_start3A_480 = arith.constant 0 : i32
      %dma_start3A_481 = tpu.memref_slice %arg7[%dma_start3A_480] : memref<8192xf32, #tpu.memory_space<vmem>> -> memref<1024xf32, #tpu.memory_space<vmem>>
      %dma_start3A_482 = tpu.memref_slice %arg4[%mul3A_478] : memref<6553600xf32, #tpu.memory_space<hbm>> -> memref<1024xf32, #tpu.memory_space<hbm>>
      %dma_start3A_483 = tpu.memref_slice %arg12[%dma_start3A_479] : memref<4x!tpu.dma_semaphore, #tpu.memory_space<semaphore_mem>> -> memref<1x!tpu.dma_semaphore, #tpu.memory_space<semaphore_mem>>
      %dma_start3A_484 = tpu.memref_squeeze %dma_start3A_483 : memref<1x!tpu.dma_semaphore, #tpu.memory_space<semaphore_mem>> -> memref<!tpu.dma_semaphore, #tpu.memory_space<semaphore_mem>>
      %dma_start3A_485 = tpu.memref_slice %arg4[%mul3A_478] : memref<6553600xf32, #tpu.memory_space<hbm>> -> memref<1024xf32, #tpu.memory_space<hbm>>
      %dma_start3A_486 = arith.constant 0 : i32
      %dma_start3A_487 = tpu.memref_slice %arg7[%dma_start3A_486] : memref<8192xf32, #tpu.memory_space<vmem>> -> memref<1024xf32, #tpu.memory_space<vmem>>
      tpu.enqueue_dma source(%dma_start3A_487 : memref<1024xf32, #tpu.memory_space<vmem>>) target(%dma_start3A_485 : memref<1024xf32, #tpu.memory_space<hbm>>) target_semaphore(%dma_start3A_484 : memref<!tpu.dma_semaphore, #tpu.memory_space<semaphore_mem>>)
      %mul3A_488 = arith.constant 8 : i32
      %mul3A_489 = arith.muli %mul3A_488, %mul3A_455 : i32
      %add3A_490 = arith.constant 1 : i32
      %add3A_491 = arith.addi %mul3A_489, %add3A_490 : i32
      %mul3A_492 = arith.constant 128 : i32
      %mul3A_493 = arith.muli %add3A_491, %mul3A_492 : i32
      %mul3A_494 = arith.constant 4 : i32
      %mul3A_495 = arith.muli %mul3A_494, %add3A : i32
      %add3A_496 = arith.addi %mul3A_493, %mul3A_495 : i32
      %mul3A_497 = arith.constant 256 : i32
      %mul3A_498 = arith.muli %add3A_496, %mul3A_497 : i32
      %dma_start3A_499 = arith.constant 2 : i32
      %dma_start3A_500 = arith.constant 1024 : i32
      %dma_start3A_501 = tpu.memref_slice %arg7[%dma_start3A_500] : memref<8192xf32, #tpu.memory_space<vmem>> -> memref<1024xf32, #tpu.memory_space<vmem>>
      %dma_start3A_502 = tpu.memref_slice %arg4[%mul3A_498] : memref<6553600xf32, #tpu.memory_space<hbm>> -> memref<1024xf32, #tpu.memory_space<hbm>>
      %dma_start3A_503 = tpu.memref_slice %arg12[%dma_start3A_499] : memref<4x!tpu.dma_semaphore, #tpu.memory_space<semaphore_mem>> -> memref<1x!tpu.dma_semaphore, #tpu.memory_space<semaphore_mem>>
      %dma_start3A_504 = tpu.memref_squeeze %dma_start3A_503 : memref<1x!tpu.dma_semaphore, #tpu.memory_space<semaphore_mem>> -> memref<!tpu.dma_semaphore, #tpu.memory_space<semaphore_mem>>
      %dma_start3A_505 = tpu.memref_slice %arg4[%mul3A_498] : memref<6553600xf32, #tpu.memory_space<hbm>> -> memref<1024xf32, #tpu.memory_space<hbm>>
      %dma_start3A_506 = arith.constant 1024 : i32
      %dma_start3A_507 = tpu.memref_slice %arg7[%dma_start3A_506] : memref<8192xf32, #tpu.memory_space<vmem>> -> memref<1024xf32, #tpu.memory_space<vmem>>
      tpu.enqueue_dma source(%dma_start3A_507 : memref<1024xf32, #tpu.memory_space<vmem>>) target(%dma_start3A_505 : memref<1024xf32, #tpu.memory_space<hbm>>) target_semaphore(%dma_start3A_504 : memref<!tpu.dma_semaphore, #tpu.memory_space<semaphore_mem>>)
      %mul3A_508 = arith.constant 8 : i32
      %mul3A_509 = arith.muli %mul3A_508, %mul3A_455 : i32
      %add3A_510 = arith.constant 2 : i32
      %add3A_511 = arith.addi %mul3A_509, %add3A_510 : i32
      %mul3A_512 = arith.constant 128 : i32
      %mul3A_513 = arith.muli %add3A_511, %mul3A_512 : i32
      %mul3A_514 = arith.constant 4 : i32
      %mul3A_515 = arith.muli %mul3A_514, %add3A : i32
      %add3A_516 = arith.addi %mul3A_513, %mul3A_515 : i32
      %mul3A_517 = arith.constant 256 : i32
      %mul3A_518 = arith.muli %add3A_516, %mul3A_517 : i32
      %dma_start3A_519 = arith.constant 2 : i32
      %dma_start3A_520 = arith.constant 2048 : i32
      %dma_start3A_521 = tpu.memref_slice %arg7[%dma_start3A_520] : memref<8192xf32, #tpu.memory_space<vmem>> -> memref<1024xf32, #tpu.memory_space<vmem>>
      %dma_start3A_522 = tpu.memref_slice %arg4[%mul3A_518] : memref<6553600xf32, #tpu.memory_space<hbm>> -> memref<1024xf32, #tpu.memory_space<hbm>>
      %dma_start3A_523 = tpu.memref_slice %arg12[%dma_start3A_519] : memref<4x!tpu.dma_semaphore, #tpu.memory_space<semaphore_mem>> -> memref<1x!tpu.dma_semaphore, #tpu.memory_space<semaphore_mem>>
      %dma_start3A_524 = tpu.memref_squeeze %dma_start3A_523 : memref<1x!tpu.dma_semaphore, #tpu.memory_space<semaphore_mem>> -> memref<!tpu.dma_semaphore, #tpu.memory_space<semaphore_mem>>
      %dma_start3A_525 = tpu.memref_slice %arg4[%mul3A_518] : memref<6553600xf32, #tpu.memory_space<hbm>> -> memref<1024xf32, #tpu.memory_space<hbm>>
      %dma_start3A_526 = arith.constant 2048 : i32
      %dma_start3A_527 = tpu.memref_slice %arg7[%dma_start3A_526] : memref<8192xf32, #tpu.memory_space<vmem>> -> memref<1024xf32, #tpu.memory_space<vmem>>
      tpu.enqueue_dma source(%dma_start3A_527 : memref<1024xf32, #tpu.memory_space<vmem>>) target(%dma_start3A_525 : memref<1024xf32, #tpu.memory_space<hbm>>) target_semaphore(%dma_start3A_524 : memref<!tpu.dma_semaphore, #tpu.memory_space<semaphore_mem>>)
      %mul3A_528 = arith.constant 8 : i32
      %mul3A_529 = arith.muli %mul3A_528, %mul3A_455 : i32
      %add3A_530 = arith.constant 3 : i32
      %add3A_531 = arith.addi %mul3A_529, %add3A_530 : i32
      %mul3A_532 = arith.constant 128 : i32
      %mul3A_533 = arith.muli %add3A_531, %mul3A_532 : i32
      %mul3A_534 = arith.constant 4 : i32
      %mul3A_535 = arith.muli %mul3A_534, %add3A : i32
      %add3A_536 = arith.addi %mul3A_533, %mul3A_535 : i32
      %mul3A_537 = arith.constant 256 : i32
      %mul3A_538 = arith.muli %add3A_536, %mul3A_537 : i32
      %dma_start3A_539 = arith.constant 2 : i32
      %dma_start3A_540 = arith.constant 3072 : i32
      %dma_start3A_541 = tpu.memref_slice %arg7[%dma_start3A_540] : memref<8192xf32, #tpu.memory_space<vmem>> -> memref<1024xf32, #tpu.memory_space<vmem>>
      %dma_start3A_542 = tpu.memref_slice %arg4[%mul3A_538] : memref<6553600xf32, #tpu.memory_space<hbm>> -> memref<1024xf32, #tpu.memory_space<hbm>>
      %dma_start3A_543 = tpu.memref_slice %arg12[%dma_start3A_539] : memref<4x!tpu.dma_semaphore, #tpu.memory_space<semaphore_mem>> -> memref<1x!tpu.dma_semaphore, #tpu.memory_space<semaphore_mem>>
      %dma_start3A_544 = tpu.memref_squeeze %dma_start3A_543 : memref<1x!tpu.dma_semaphore, #tpu.memory_space<semaphore_mem>> -> memref<!tpu.dma_semaphore, #tpu.memory_space<semaphore_mem>>
      %dma_start3A_545 = tpu.memref_slice %arg4[%mul3A_538] : memref<6553600xf32, #tpu.memory_space<hbm>> -> memref<1024xf32, #tpu.memory_space<hbm>>
      %dma_start3A_546 = arith.constant 3072 : i32
      %dma_start3A_547 = tpu.memref_slice %arg7[%dma_start3A_546] : memref<8192xf32, #tpu.memory_space<vmem>> -> memref<1024xf32, #tpu.memory_space<vmem>>
      tpu.enqueue_dma source(%dma_start3A_547 : memref<1024xf32, #tpu.memory_space<vmem>>) target(%dma_start3A_545 : memref<1024xf32, #tpu.memory_space<hbm>>) target_semaphore(%dma_start3A_544 : memref<!tpu.dma_semaphore, #tpu.memory_space<semaphore_mem>>)
      %mul3A_548 = arith.constant 8 : i32
      %mul3A_549 = arith.muli %mul3A_548, %mul3A_455 : i32
      %add3A_550 = arith.constant 4 : i32
      %add3A_551 = arith.addi %mul3A_549, %add3A_550 : i32
      %mul3A_552 = arith.constant 128 : i32
      %mul3A_553 = arith.muli %add3A_551, %mul3A_552 : i32
      %mul3A_554 = arith.constant 4 : i32
      %mul3A_555 = arith.muli %mul3A_554, %add3A : i32
      %add3A_556 = arith.addi %mul3A_553, %mul3A_555 : i32
      %mul3A_557 = arith.constant 256 : i32
      %mul3A_558 = arith.muli %add3A_556, %mul3A_557 : i32
      %dma_start3A_559 = arith.constant 2 : i32
      %dma_start3A_560 = arith.constant 4096 : i32
      %dma_start3A_561 = tpu.memref_slice %arg7[%dma_start3A_560] : memref<8192xf32, #tpu.memory_space<vmem>> -> memref<1024xf32, #tpu.memory_space<vmem>>
      %dma_start3A_562 = tpu.memref_slice %arg4[%mul3A_558] : memref<6553600xf32, #tpu.memory_space<hbm>> -> memref<1024xf32, #tpu.memory_space<hbm>>
      %dma_start3A_563 = tpu.memref_slice %arg12[%dma_start3A_559] : memref<4x!tpu.dma_semaphore, #tpu.memory_space<semaphore_mem>> -> memref<1x!tpu.dma_semaphore, #tpu.memory_space<semaphore_mem>>
      %dma_start3A_564 = tpu.memref_squeeze %dma_start3A_563 : memref<1x!tpu.dma_semaphore, #tpu.memory_space<semaphore_mem>> -> memref<!tpu.dma_semaphore, #tpu.memory_space<semaphore_mem>>
      %dma_start3A_565 = tpu.memref_slice %arg4[%mul3A_558] : memref<6553600xf32, #tpu.memory_space<hbm>> -> memref<1024xf32, #tpu.memory_space<hbm>>
      %dma_start3A_566 = arith.constant 4096 : i32
      %dma_start3A_567 = tpu.memref_slice %arg7[%dma_start3A_566] : memref<8192xf32, #tpu.memory_space<vmem>> -> memref<1024xf32, #tpu.memory_space<vmem>>
      tpu.enqueue_dma source(%dma_start3A_567 : memref<1024xf32, #tpu.memory_space<vmem>>) target(%dma_start3A_565 : memref<1024xf32, #tpu.memory_space<hbm>>) target_semaphore(%dma_start3A_564 : memref<!tpu.dma_semaphore, #tpu.memory_space<semaphore_mem>>)
      %mul3A_568 = arith.constant 8 : i32
      %mul3A_569 = arith.muli %mul3A_568, %mul3A_455 : i32
      %add3A_570 = arith.constant 5 : i32
      %add3A_571 = arith.addi %mul3A_569, %add3A_570 : i32
      %mul3A_572 = arith.constant 128 : i32
      %mul3A_573 = arith.muli %add3A_571, %mul3A_572 : i32
      %mul3A_574 = arith.constant 4 : i32
      %mul3A_575 = arith.muli %mul3A_574, %add3A : i32
      %add3A_576 = arith.addi %mul3A_573, %mul3A_575 : i32
      %mul3A_577 = arith.constant 256 : i32
      %mul3A_578 = arith.muli %add3A_576, %mul3A_577 : i32
      %dma_start3A_579 = arith.constant 2 : i32
      %dma_start3A_580 = arith.constant 5120 : i32
      %dma_start3A_581 = tpu.memref_slice %arg7[%dma_start3A_580] : memref<8192xf32, #tpu.memory_space<vmem>> -> memref<1024xf32, #tpu.memory_space<vmem>>
      %dma_start3A_582 = tpu.memref_slice %arg4[%mul3A_578] : memref<6553600xf32, #tpu.memory_space<hbm>> -> memref<1024xf32, #tpu.memory_space<hbm>>
      %dma_start3A_583 = tpu.memref_slice %arg12[%dma_start3A_579] : memref<4x!tpu.dma_semaphore, #tpu.memory_space<semaphore_mem>> -> memref<1x!tpu.dma_semaphore, #tpu.memory_space<semaphore_mem>>
      %dma_start3A_584 = tpu.memref_squeeze %dma_start3A_583 : memref<1x!tpu.dma_semaphore, #tpu.memory_space<semaphore_mem>> -> memref<!tpu.dma_semaphore, #tpu.memory_space<semaphore_mem>>
      %dma_start3A_585 = tpu.memref_slice %arg4[%mul3A_578] : memref<6553600xf32, #tpu.memory_space<hbm>> -> memref<1024xf32, #tpu.memory_space<hbm>>
      %dma_start3A_586 = arith.constant 5120 : i32
      %dma_start3A_587 = tpu.memref_slice %arg7[%dma_start3A_586] : memref<8192xf32, #tpu.memory_space<vmem>> -> memref<1024xf32, #tpu.memory_space<vmem>>
      tpu.enqueue_dma source(%dma_start3A_587 : memref<1024xf32, #tpu.memory_space<vmem>>) target(%dma_start3A_585 : memref<1024xf32, #tpu.memory_space<hbm>>) target_semaphore(%dma_start3A_584 : memref<!tpu.dma_semaphore, #tpu.memory_space<semaphore_mem>>)
      %mul3A_588 = arith.constant 8 : i32
      %mul3A_589 = arith.muli %mul3A_588, %mul3A_455 : i32
      %add3A_590 = arith.constant 6 : i32
      %add3A_591 = arith.addi %mul3A_589, %add3A_590 : i32
      %mul3A_592 = arith.constant 128 : i32
      %mul3A_593 = arith.muli %add3A_591, %mul3A_592 : i32
      %mul3A_594 = arith.constant 4 : i32
      %mul3A_595 = arith.muli %mul3A_594, %add3A : i32
      %add3A_596 = arith.addi %mul3A_593, %mul3A_595 : i32
      %mul3A_597 = arith.constant 256 : i32
      %mul3A_598 = arith.muli %add3A_596, %mul3A_597 : i32
      %dma_start3A_599 = arith.constant 2 : i32
      %dma_start3A_600 = arith.constant 6144 : i32
      %dma_start3A_601 = tpu.memref_slice %arg7[%dma_start3A_600] : memref<8192xf32, #tpu.memory_space<vmem>> -> memref<1024xf32, #tpu.memory_space<vmem>>
      %dma_start3A_602 = tpu.memref_slice %arg4[%mul3A_598] : memref<6553600xf32, #tpu.memory_space<hbm>> -> memref<1024xf32, #tpu.memory_space<hbm>>
      %dma_start3A_603 = tpu.memref_slice %arg12[%dma_start3A_599] : memref<4x!tpu.dma_semaphore, #tpu.memory_space<semaphore_mem>> -> memref<1x!tpu.dma_semaphore, #tpu.memory_space<semaphore_mem>>
      %dma_start3A_604 = tpu.memref_squeeze %dma_start3A_603 : memref<1x!tpu.dma_semaphore, #tpu.memory_space<semaphore_mem>> -> memref<!tpu.dma_semaphore, #tpu.memory_space<semaphore_mem>>
      %dma_start3A_605 = tpu.memref_slice %arg4[%mul3A_598] : memref<6553600xf32, #tpu.memory_space<hbm>> -> memref<1024xf32, #tpu.memory_space<hbm>>
      %dma_start3A_606 = arith.constant 6144 : i32
      %dma_start3A_607 = tpu.memref_slice %arg7[%dma_start3A_606] : memref<8192xf32, #tpu.memory_space<vmem>> -> memref<1024xf32, #tpu.memory_space<vmem>>
      tpu.enqueue_dma source(%dma_start3A_607 : memref<1024xf32, #tpu.memory_space<vmem>>) target(%dma_start3A_605 : memref<1024xf32, #tpu.memory_space<hbm>>) target_semaphore(%dma_start3A_604 : memref<!tpu.dma_semaphore, #tpu.memory_space<semaphore_mem>>)
      %mul3A_608 = arith.constant 8 : i32
      %mul3A_609 = arith.muli %mul3A_608, %mul3A_455 : i32
      %add3A_610 = arith.constant 7 : i32
      %add3A_611 = arith.addi %mul3A_609, %add3A_610 : i32
      %mul3A_612 = arith.constant 128 : i32
      %mul3A_613 = arith.muli %add3A_611, %mul3A_612 : i32
      %mul3A_614 = arith.constant 4 : i32
      %mul3A_615 = arith.muli %mul3A_614, %add3A : i32
      %add3A_616 = arith.addi %mul3A_613, %mul3A_615 : i32
      %mul3A_617 = arith.constant 256 : i32
      %mul3A_618 = arith.muli %add3A_616, %mul3A_617 : i32
      %dma_start3A_619 = arith.constant 2 : i32
      %dma_start3A_620 = arith.constant 7168 : i32
      %dma_start3A_621 = tpu.memref_slice %arg7[%dma_start3A_620] : memref<8192xf32, #tpu.memory_space<vmem>> -> memref<1024xf32, #tpu.memory_space<vmem>>
      %dma_start3A_622 = tpu.memref_slice %arg4[%mul3A_618] : memref<6553600xf32, #tpu.memory_space<hbm>> -> memref<1024xf32, #tpu.memory_space<hbm>>
      %dma_start3A_623 = tpu.memref_slice %arg12[%dma_start3A_619] : memref<4x!tpu.dma_semaphore, #tpu.memory_space<semaphore_mem>> -> memref<1x!tpu.dma_semaphore, #tpu.memory_space<semaphore_mem>>
      %dma_start3A_624 = tpu.memref_squeeze %dma_start3A_623 : memref<1x!tpu.dma_semaphore, #tpu.memory_space<semaphore_mem>> -> memref<!tpu.dma_semaphore, #tpu.memory_space<semaphore_mem>>
      %dma_start3A_625 = tpu.memref_slice %arg4[%mul3A_618] : memref<6553600xf32, #tpu.memory_space<hbm>> -> memref<1024xf32, #tpu.memory_space<hbm>>
      %dma_start3A_626 = arith.constant 7168 : i32
      %dma_start3A_627 = tpu.memref_slice %arg7[%dma_start3A_626] : memref<8192xf32, #tpu.memory_space<vmem>> -> memref<1024xf32, #tpu.memory_space<vmem>>
      tpu.enqueue_dma source(%dma_start3A_627 : memref<1024xf32, #tpu.memory_space<vmem>>) target(%dma_start3A_625 : memref<1024xf32, #tpu.memory_space<hbm>>) target_semaphore(%dma_start3A_624 : memref<!tpu.dma_semaphore, #tpu.memory_space<semaphore_mem>>)
      %add3A_628 = arith.constant 2 : i32
      %add3A_629 = arith.addi %mul3A_455, %add3A_628 : i32
      %mul3A_630 = arith.constant 128 : i32
      %mul3A_631 = arith.muli %add3A_629, %mul3A_630 : i32
      %mul3A_632 = arith.constant 4 : i32
      %mul3A_633 = arith.muli %mul3A_632, %add3A : i32
      %add3A_634 = arith.addi %mul3A_631, %mul3A_633 : i32
      %mul3A_635 = arith.constant 1024 : i32
      %mul3A_636 = arith.muli %add3A_634, %mul3A_635 : i32
      %dma_start3A_637 = arith.constant 0 : i32
      %dma_start3A_638 = tpu.memref_slice %arg3[%mul3A_636] : memref<3276800xi32, #tpu.memory_space<hbm>> -> memref<4096xi32, #tpu.memory_space<hbm>>
      %dma_start3A_639 = tpu.memref_slice %arg12[%dma_start3A_637] : memref<4x!tpu.dma_semaphore, #tpu.memory_space<semaphore_mem>> -> memref<1x!tpu.dma_semaphore, #tpu.memory_space<semaphore_mem>>
      %dma_start3A_640 = tpu.memref_squeeze %dma_start3A_639 : memref<1x!tpu.dma_semaphore, #tpu.memory_space<semaphore_mem>> -> memref<!tpu.dma_semaphore, #tpu.memory_space<semaphore_mem>>
      %dma_start3A_641 = tpu.memref_slice %arg3[%mul3A_636] : memref<3276800xi32, #tpu.memory_space<hbm>> -> memref<4096xi32, #tpu.memory_space<hbm>>
      tpu.enqueue_dma source(%dma_start3A_641 : memref<4096xi32, #tpu.memory_space<hbm>>) target(%arg5 : memref<4096xi32, #tpu.memory_space<vmem>>) target_semaphore(%dma_start3A_640 : memref<!tpu.dma_semaphore, #tpu.memory_space<semaphore_mem>>)
      %dma_wait3A_642 = arith.constant 1 : i32
      %dma_wait3A_643 = arith.constant 0 : i32
      %dma_wait3A_644 = tpu.memref_slice %arg3[%dma_wait3A_643] : memref<3276800xi32, #tpu.memory_space<hbm>> -> memref<4096xi32, #tpu.memory_space<hbm>>
      %dma_wait3A_645 = tpu.memref_slice %arg12[%dma_wait3A_642] : memref<4x!tpu.dma_semaphore, #tpu.memory_space<semaphore_mem>> -> memref<1x!tpu.dma_semaphore, #tpu.memory_space<semaphore_mem>>
      %dma_wait3A_646 = tpu.memref_squeeze %dma_wait3A_645 : memref<1x!tpu.dma_semaphore, #tpu.memory_space<semaphore_mem>> -> memref<!tpu.dma_semaphore, #tpu.memory_space<semaphore_mem>>
      %dma_wait3A_647 = arith.constant 0 : i32
      %dma_wait3A_648 = tpu.memref_slice %arg3[%dma_wait3A_647] : memref<3276800xi32, #tpu.memory_space<hbm>> -> memref<4096xi32, #tpu.memory_space<hbm>>
      tpu.wait_dma2 semaphore(%dma_wait3A_646 : memref<!tpu.dma_semaphore, #tpu.memory_space<semaphore_mem>>) src(%dma_wait3A_648 : memref<4096xi32, #tpu.memory_space<hbm>>) dst(%arg6 : memref<4096xi32, #tpu.memory_space<vmem>>)
      %gt3A_649 = arith.constant 0 : i32
      %gt3A_650 = arith.cmpi sgt, %scan3A_453, %gt3A_649 : i32
      %convert_element_type3A_651 = arith.extui %gt3A_650 : i1 to i32
      %cond3A_652 = arith.constant 0 : i32
      %cond3A_653 = arith.cmpi ne, %convert_element_type3A_651, %cond3A_652 : i32
      scf.if %cond3A_653 {
        %dma_wait3A_823 = arith.constant 3 : i32
        %dma_wait3A_824 = arith.constant 0 : i32
        %dma_wait3A_825 = tpu.memref_slice %arg8[%dma_wait3A_824] : memref<8192xf32, #tpu.memory_space<vmem>> -> memref<1024xf32, #tpu.memory_space<vmem>>
        %dma_wait3A_826 = arith.constant 0 : i32
        %dma_wait3A_827 = tpu.memref_slice %arg4[%dma_wait3A_826] : memref<6553600xf32, #tpu.memory_space<hbm>> -> memref<1024xf32, #tpu.memory_space<hbm>>
        %dma_wait3A_828 = tpu.memref_slice %arg12[%dma_wait3A_823] : memref<4x!tpu.dma_semaphore, #tpu.memory_space<semaphore_mem>> -> memref<1x!tpu.dma_semaphore, #tpu.memory_space<semaphore_mem>>
        %dma_wait3A_829 = tpu.memref_squeeze %dma_wait3A_828 : memref<1x!tpu.dma_semaphore, #tpu.memory_space<semaphore_mem>> -> memref<!tpu.dma_semaphore, #tpu.memory_space<semaphore_mem>>
        %dma_wait3A_830 = arith.constant 0 : i32
        %dma_wait3A_831 = tpu.memref_slice %arg4[%dma_wait3A_830] : memref<6553600xf32, #tpu.memory_space<hbm>> -> memref<1024xf32, #tpu.memory_space<hbm>>
        %dma_wait3A_832 = arith.constant 0 : i32
        %dma_wait3A_833 = tpu.memref_slice %arg8[%dma_wait3A_832] : memref<8192xf32, #tpu.memory_space<vmem>> -> memref<1024xf32, #tpu.memory_space<vmem>>
        tpu.wait_dma2 semaphore(%dma_wait3A_829 : memref<!tpu.dma_semaphore, #tpu.memory_space<semaphore_mem>>) src(%dma_wait3A_833 : memref<1024xf32, #tpu.memory_space<vmem>>) dst(%dma_wait3A_831 : memref<1024xf32, #tpu.memory_space<hbm>>)
        %dma_wait3A_834 = arith.constant 3 : i32
        %dma_wait3A_835 = arith.constant 1024 : i32
        %dma_wait3A_836 = tpu.memref_slice %arg8[%dma_wait3A_835] : memref<8192xf32, #tpu.memory_space<vmem>> -> memref<1024xf32, #tpu.memory_space<vmem>>
        %dma_wait3A_837 = arith.constant 1024 : i32
        %dma_wait3A_838 = tpu.memref_slice %arg4[%dma_wait3A_837] : memref<6553600xf32, #tpu.memory_space<hbm>> -> memref<1024xf32, #tpu.memory_space<hbm>>
        %dma_wait3A_839 = tpu.memref_slice %arg12[%dma_wait3A_834] : memref<4x!tpu.dma_semaphore, #tpu.memory_space<semaphore_mem>> -> memref<1x!tpu.dma_semaphore, #tpu.memory_space<semaphore_mem>>
        %dma_wait3A_840 = tpu.memref_squeeze %dma_wait3A_839 : memref<1x!tpu.dma_semaphore, #tpu.memory_space<semaphore_mem>> -> memref<!tpu.dma_semaphore, #tpu.memory_space<semaphore_mem>>
        %dma_wait3A_841 = arith.constant 1024 : i32
        %dma_wait3A_842 = tpu.memref_slice %arg4[%dma_wait3A_841] : memref<6553600xf32, #tpu.memory_space<hbm>> -> memref<1024xf32, #tpu.memory_space<hbm>>
        %dma_wait3A_843 = arith.constant 1024 : i32
        %dma_wait3A_844 = tpu.memref_slice %arg8[%dma_wait3A_843] : memref<8192xf32, #tpu.memory_space<vmem>> -> memref<1024xf32, #tpu.memory_space<vmem>>
        tpu.wait_dma2 semaphore(%dma_wait3A_840 : memref<!tpu.dma_semaphore, #tpu.memory_space<semaphore_mem>>) src(%dma_wait3A_844 : memref<1024xf32, #tpu.memory_space<vmem>>) dst(%dma_wait3A_842 : memref<1024xf32, #tpu.memory_space<hbm>>)
        %dma_wait3A_845 = arith.constant 3 : i32
        %dma_wait3A_846 = arith.constant 2048 : i32
        %dma_wait3A_847 = tpu.memref_slice %arg8[%dma_wait3A_846] : memref<8192xf32, #tpu.memory_space<vmem>> -> memref<1024xf32, #tpu.memory_space<vmem>>
        %dma_wait3A_848 = arith.constant 2048 : i32
        %dma_wait3A_849 = tpu.memref_slice %arg4[%dma_wait3A_848] : memref<6553600xf32, #tpu.memory_space<hbm>> -> memref<1024xf32, #tpu.memory_space<hbm>>
        %dma_wait3A_850 = tpu.memref_slice %arg12[%dma_wait3A_845] : memref<4x!tpu.dma_semaphore, #tpu.memory_space<semaphore_mem>> -> memref<1x!tpu.dma_semaphore, #tpu.memory_space<semaphore_mem>>
        %dma_wait3A_851 = tpu.memref_squeeze %dma_wait3A_850 : memref<1x!tpu.dma_semaphore, #tpu.memory_space<semaphore_mem>> -> memref<!tpu.dma_semaphore, #tpu.memory_space<semaphore_mem>>
        %dma_wait3A_852 = arith.constant 2048 : i32
        %dma_wait3A_853 = tpu.memref_slice %arg4[%dma_wait3A_852] : memref<6553600xf32, #tpu.memory_space<hbm>> -> memref<1024xf32, #tpu.memory_space<hbm>>
        %dma_wait3A_854 = arith.constant 2048 : i32
        %dma_wait3A_855 = tpu.memref_slice %arg8[%dma_wait3A_854] : memref<8192xf32, #tpu.memory_space<vmem>> -> memref<1024xf32, #tpu.memory_space<vmem>>
        tpu.wait_dma2 semaphore(%dma_wait3A_851 : memref<!tpu.dma_semaphore, #tpu.memory_space<semaphore_mem>>) src(%dma_wait3A_855 : memref<1024xf32, #tpu.memory_space<vmem>>) dst(%dma_wait3A_853 : memref<1024xf32, #tpu.memory_space<hbm>>)
        %dma_wait3A_856 = arith.constant 3 : i32
        %dma_wait3A_857 = arith.constant 3072 : i32
        %dma_wait3A_858 = tpu.memref_slice %arg8[%dma_wait3A_857] : memref<8192xf32, #tpu.memory_space<vmem>> -> memref<1024xf32, #tpu.memory_space<vmem>>
        %dma_wait3A_859 = arith.constant 3072 : i32
        %dma_wait3A_860 = tpu.memref_slice %arg4[%dma_wait3A_859] : memref<6553600xf32, #tpu.memory_space<hbm>> -> memref<1024xf32, #tpu.memory_space<hbm>>
        %dma_wait3A_861 = tpu.memref_slice %arg12[%dma_wait3A_856] : memref<4x!tpu.dma_semaphore, #tpu.memory_space<semaphore_mem>> -> memref<1x!tpu.dma_semaphore, #tpu.memory_space<semaphore_mem>>
        %dma_wait3A_862 = tpu.memref_squeeze %dma_wait3A_861 : memref<1x!tpu.dma_semaphore, #tpu.memory_space<semaphore_mem>> -> memref<!tpu.dma_semaphore, #tpu.memory_space<semaphore_mem>>
        %dma_wait3A_863 = arith.constant 3072 : i32
        %dma_wait3A_864 = tpu.memref_slice %arg4[%dma_wait3A_863] : memref<6553600xf32, #tpu.memory_space<hbm>> -> memref<1024xf32, #tpu.memory_space<hbm>>
        %dma_wait3A_865 = arith.constant 3072 : i32
        %dma_wait3A_866 = tpu.memref_slice %arg8[%dma_wait3A_865] : memref<8192xf32, #tpu.memory_space<vmem>> -> memref<1024xf32, #tpu.memory_space<vmem>>
        tpu.wait_dma2 semaphore(%dma_wait3A_862 : memref<!tpu.dma_semaphore, #tpu.memory_space<semaphore_mem>>) src(%dma_wait3A_866 : memref<1024xf32, #tpu.memory_space<vmem>>) dst(%dma_wait3A_864 : memref<1024xf32, #tpu.memory_space<hbm>>)
        %dma_wait3A_867 = arith.constant 3 : i32
        %dma_wait3A_868 = arith.constant 4096 : i32
        %dma_wait3A_869 = tpu.memref_slice %arg8[%dma_wait3A_868] : memref<8192xf32, #tpu.memory_space<vmem>> -> memref<1024xf32, #tpu.memory_space<vmem>>
        %dma_wait3A_870 = arith.constant 4096 : i32
        %dma_wait3A_871 = tpu.memref_slice %arg4[%dma_wait3A_870] : memref<6553600xf32, #tpu.memory_space<hbm>> -> memref<1024xf32, #tpu.memory_space<hbm>>
        %dma_wait3A_872 = tpu.memref_slice %arg12[%dma_wait3A_867] : memref<4x!tpu.dma_semaphore, #tpu.memory_space<semaphore_mem>> -> memref<1x!tpu.dma_semaphore, #tpu.memory_space<semaphore_mem>>
        %dma_wait3A_873 = tpu.memref_squeeze %dma_wait3A_872 : memref<1x!tpu.dma_semaphore, #tpu.memory_space<semaphore_mem>> -> memref<!tpu.dma_semaphore, #tpu.memory_space<semaphore_mem>>
        %dma_wait3A_874 = arith.constant 4096 : i32
        %dma_wait3A_875 = tpu.memref_slice %arg4[%dma_wait3A_874] : memref<6553600xf32, #tpu.memory_space<hbm>> -> memref<1024xf32, #tpu.memory_space<hbm>>
        %dma_wait3A_876 = arith.constant 4096 : i32
        %dma_wait3A_877 = tpu.memref_slice %arg8[%dma_wait3A_876] : memref<8192xf32, #tpu.memory_space<vmem>> -> memref<1024xf32, #tpu.memory_space<vmem>>
        tpu.wait_dma2 semaphore(%dma_wait3A_873 : memref<!tpu.dma_semaphore, #tpu.memory_space<semaphore_mem>>) src(%dma_wait3A_877 : memref<1024xf32, #tpu.memory_space<vmem>>) dst(%dma_wait3A_875 : memref<1024xf32, #tpu.memory_space<hbm>>)
        %dma_wait3A_878 = arith.constant 3 : i32
        %dma_wait3A_879 = arith.constant 5120 : i32
        %dma_wait3A_880 = tpu.memref_slice %arg8[%dma_wait3A_879] : memref<8192xf32, #tpu.memory_space<vmem>> -> memref<1024xf32, #tpu.memory_space<vmem>>
        %dma_wait3A_881 = arith.constant 5120 : i32
        %dma_wait3A_882 = tpu.memref_slice %arg4[%dma_wait3A_881] : memref<6553600xf32, #tpu.memory_space<hbm>> -> memref<1024xf32, #tpu.memory_space<hbm>>
        %dma_wait3A_883 = tpu.memref_slice %arg12[%dma_wait3A_878] : memref<4x!tpu.dma_semaphore, #tpu.memory_space<semaphore_mem>> -> memref<1x!tpu.dma_semaphore, #tpu.memory_space<semaphore_mem>>
        %dma_wait3A_884 = tpu.memref_squeeze %dma_wait3A_883 : memref<1x!tpu.dma_semaphore, #tpu.memory_space<semaphore_mem>> -> memref<!tpu.dma_semaphore, #tpu.memory_space<semaphore_mem>>
        %dma_wait3A_885 = arith.constant 5120 : i32
        %dma_wait3A_886 = tpu.memref_slice %arg4[%dma_wait3A_885] : memref<6553600xf32, #tpu.memory_space<hbm>> -> memref<1024xf32, #tpu.memory_space<hbm>>
        %dma_wait3A_887 = arith.constant 5120 : i32
        %dma_wait3A_888 = tpu.memref_slice %arg8[%dma_wait3A_887] : memref<8192xf32, #tpu.memory_space<vmem>> -> memref<1024xf32, #tpu.memory_space<vmem>>
        tpu.wait_dma2 semaphore(%dma_wait3A_884 : memref<!tpu.dma_semaphore, #tpu.memory_space<semaphore_mem>>) src(%dma_wait3A_888 : memref<1024xf32, #tpu.memory_space<vmem>>) dst(%dma_wait3A_886 : memref<1024xf32, #tpu.memory_space<hbm>>)
        %dma_wait3A_889 = arith.constant 3 : i32
        %dma_wait3A_890 = arith.constant 6144 : i32
        %dma_wait3A_891 = tpu.memref_slice %arg8[%dma_wait3A_890] : memref<8192xf32, #tpu.memory_space<vmem>> -> memref<1024xf32, #tpu.memory_space<vmem>>
        %dma_wait3A_892 = arith.constant 6144 : i32
        %dma_wait3A_893 = tpu.memref_slice %arg4[%dma_wait3A_892] : memref<6553600xf32, #tpu.memory_space<hbm>> -> memref<1024xf32, #tpu.memory_space<hbm>>
        %dma_wait3A_894 = tpu.memref_slice %arg12[%dma_wait3A_889] : memref<4x!tpu.dma_semaphore, #tpu.memory_space<semaphore_mem>> -> memref<1x!tpu.dma_semaphore, #tpu.memory_space<semaphore_mem>>
        %dma_wait3A_895 = tpu.memref_squeeze %dma_wait3A_894 : memref<1x!tpu.dma_semaphore, #tpu.memory_space<semaphore_mem>> -> memref<!tpu.dma_semaphore, #tpu.memory_space<semaphore_mem>>
        %dma_wait3A_896 = arith.constant 6144 : i32
        %dma_wait3A_897 = tpu.memref_slice %arg4[%dma_wait3A_896] : memref<6553600xf32, #tpu.memory_space<hbm>> -> memref<1024xf32, #tpu.memory_space<hbm>>
        %dma_wait3A_898 = arith.constant 6144 : i32
        %dma_wait3A_899 = tpu.memref_slice %arg8[%dma_wait3A_898] : memref<8192xf32, #tpu.memory_space<vmem>> -> memref<1024xf32, #tpu.memory_space<vmem>>
        tpu.wait_dma2 semaphore(%dma_wait3A_895 : memref<!tpu.dma_semaphore, #tpu.memory_space<semaphore_mem>>) src(%dma_wait3A_899 : memref<1024xf32, #tpu.memory_space<vmem>>) dst(%dma_wait3A_897 : memref<1024xf32, #tpu.memory_space<hbm>>)
        %dma_wait3A_900 = arith.constant 3 : i32
        %dma_wait3A_901 = arith.constant 7168 : i32
        %dma_wait3A_902 = tpu.memref_slice %arg8[%dma_wait3A_901] : memref<8192xf32, #tpu.memory_space<vmem>> -> memref<1024xf32, #tpu.memory_space<vmem>>
        %dma_wait3A_903 = arith.constant 7168 : i32
        %dma_wait3A_904 = tpu.memref_slice %arg4[%dma_wait3A_903] : memref<6553600xf32, #tpu.memory_space<hbm>> -> memref<1024xf32, #tpu.memory_space<hbm>>
        %dma_wait3A_905 = tpu.memref_slice %arg12[%dma_wait3A_900] : memref<4x!tpu.dma_semaphore, #tpu.memory_space<semaphore_mem>> -> memref<1x!tpu.dma_semaphore, #tpu.memory_space<semaphore_mem>>
        %dma_wait3A_906 = tpu.memref_squeeze %dma_wait3A_905 : memref<1x!tpu.dma_semaphore, #tpu.memory_space<semaphore_mem>> -> memref<!tpu.dma_semaphore, #tpu.memory_space<semaphore_mem>>
        %dma_wait3A_907 = arith.constant 7168 : i32
        %dma_wait3A_908 = tpu.memref_slice %arg4[%dma_wait3A_907] : memref<6553600xf32, #tpu.memory_space<hbm>> -> memref<1024xf32, #tpu.memory_space<hbm>>
        %dma_wait3A_909 = arith.constant 7168 : i32
        %dma_wait3A_910 = tpu.memref_slice %arg8[%dma_wait3A_909] : memref<8192xf32, #tpu.memory_space<vmem>> -> memref<1024xf32, #tpu.memory_space<vmem>>
        tpu.wait_dma2 semaphore(%dma_wait3A_906 : memref<!tpu.dma_semaphore, #tpu.memory_space<semaphore_mem>>) src(%dma_wait3A_910 : memref<1024xf32, #tpu.memory_space<vmem>>) dst(%dma_wait3A_908 : memref<1024xf32, #tpu.memory_space<hbm>>)
      } else {
      }
      %parallel_loop3A_654 = arith.constant 0 : i32
      %parallel_loop3A_655 = arith.constant 256 : i32
      %parallel_loop3A_656 = arith.constant 1 : i32
      scf.for %parallel_loop3A_823 = %parallel_loop3A_654 to %parallel_loop3A_655 step %parallel_loop3A_656  : i32 {
        %parallel_loop3A_824 = arith.constant 16 : i32
        %parallel_loop3A_825 = arith.muli %parallel_loop3A_823, %parallel_loop3A_824 : i32
        %parallel_loop3A_826 = arith.index_cast %parallel_loop3A_825 : i32 to index
        %parallel_loop3A_827 = tpu.vector_load %arg6[%parallel_loop3A_826] {strides = array<i32>} : memref<4096xi32, #tpu.memory_space<vmem>>, vector<16xi32>,
        %parallel_loop3A_828 = arith.constant 2 : i32
        %parallel_loop3A_829 = vector.broadcast %parallel_loop3A_828 : i32 to vector<16xi32>
        %parallel_loop3A_830 = arith.muli %parallel_loop3A_827, %parallel_loop3A_829 : vector<16xi32>
        %parallel_loop3A_831 = tpu.vector_load_idx %arg9[%parallel_loop3A_830] : memref<16xf32, #tpu.memory_space<vmem>>[vector<16xi32>], vector<16xf32>,
        %parallel_loop3A_832 = arith.constant 1 : i32
        %parallel_loop3A_833 = vector.broadcast %parallel_loop3A_832 : i32 to vector<16xi32>
        %parallel_loop3A_834 = arith.addi %parallel_loop3A_830, %parallel_loop3A_833 : vector<16xi32>
        %parallel_loop3A_835 = tpu.vector_load_idx %arg9[%parallel_loop3A_834] : memref<16xf32, #tpu.memory_space<vmem>>[vector<16xi32>], vector<16xf32>,
        %parallel_loop3A_836 = arith.constant 6 : i32
        %parallel_loop3A_837 = arith.shrsi %parallel_loop3A_823, %parallel_loop3A_836 : i32
        %parallel_loop3A_838 = arith.constant 63 : i32
        %parallel_loop3A_839 = arith.andi %parallel_loop3A_823, %parallel_loop3A_838 : i32
        %parallel_loop3A_840 = arith.constant 3 : i32
        %parallel_loop3A_841 = arith.shrsi %parallel_loop3A_839, %parallel_loop3A_840 : i32
        %parallel_loop3A_842 = arith.constant 1024 : i32
        %parallel_loop3A_843 = arith.muli %parallel_loop3A_841, %parallel_loop3A_842 : i32
        %parallel_loop3A_844 = arith.constant 256 : i32
        %parallel_loop3A_845 = arith.muli %parallel_loop3A_837, %parallel_loop3A_844 : i32
        %parallel_loop3A_846 = arith.addi %parallel_loop3A_843, %parallel_loop3A_845 : i32
        %parallel_loop3A_847 = arith.constant 7 : i32
        %parallel_loop3A_848 = arith.andi %parallel_loop3A_839, %parallel_loop3A_847 : i32
        %parallel_loop3A_849 = arith.constant 16 : i32
        %parallel_loop3A_850 = arith.muli %parallel_loop3A_848, %parallel_loop3A_849 : i32
        %parallel_loop3A_851 = arith.addi %parallel_loop3A_846, %parallel_loop3A_850 : i32
        %parallel_loop3A_852 = arith.index_cast %parallel_loop3A_851 : i32 to index
        %parallel_loop3A_853 = tpu.vector_load %arg8[%parallel_loop3A_852] {strides = array<i32>} : memref<8192xf32, #tpu.memory_space<vmem>>, vector<16xf32>,
        tpu.vector_store %arg8[%parallel_loop3A_852], %parallel_loop3A_831 {strides = array<i32>} : memref<8192xf32, #tpu.memory_space<vmem>>, vector<16xf32>,
        %parallel_loop3A_854 = arith.constant 128 : i32
        %parallel_loop3A_855 = arith.addi %parallel_loop3A_851, %parallel_loop3A_854 : i32
        %parallel_loop3A_856 = arith.index_cast %parallel_loop3A_855 : i32 to index
        %parallel_loop3A_857 = tpu.vector_load %arg8[%parallel_loop3A_856] {strides = array<i32>} : memref<8192xf32, #tpu.memory_space<vmem>>, vector<16xf32>,
        tpu.vector_store %arg8[%parallel_loop3A_856], %parallel_loop3A_835 {strides = array<i32>} : memref<8192xf32, #tpu.memory_space<vmem>>, vector<16xf32>,
      } {sc.loop_unroll_factor = 8 : i64, sc.parallel_access}
      %add3A_657 = arith.constant 1 : i32
      %add3A_658 = arith.addi %mul3A_455, %add3A_657 : i32
      %mul3A_659 = arith.constant 8 : i32
      %mul3A_660 = arith.muli %mul3A_659, %add3A_658 : i32
      %add3A_661 = arith.constant 0 : i32
      %add3A_662 = arith.addi %mul3A_660, %add3A_661 : i32
      %mul3A_663 = arith.constant 128 : i32
      %mul3A_664 = arith.muli %add3A_662, %mul3A_663 : i32
      %mul3A_665 = arith.constant 4 : i32
      %mul3A_666 = arith.muli %mul3A_665, %add3A : i32
      %add3A_667 = arith.addi %mul3A_664, %mul3A_666 : i32
      %mul3A_668 = arith.constant 256 : i32
      %mul3A_669 = arith.muli %add3A_667, %mul3A_668 : i32
      %dma_start3A_670 = arith.constant 3 : i32
      %dma_start3A_671 = arith.constant 0 : i32
      %dma_start3A_672 = tpu.memref_slice %arg8[%dma_start3A_671] : memref<8192xf32, #tpu.memory_space<vmem>> -> memref<1024xf32, #tpu.memory_space<vmem>>
      %dma_start3A_673 = tpu.memref_slice %arg4[%mul3A_669] : memref<6553600xf32, #tpu.memory_space<hbm>> -> memref<1024xf32, #tpu.memory_space<hbm>>
      %dma_start3A_674 = tpu.memref_slice %arg12[%dma_start3A_670] : memref<4x!tpu.dma_semaphore, #tpu.memory_space<semaphore_mem>> -> memref<1x!tpu.dma_semaphore, #tpu.memory_space<semaphore_mem>>
      %dma_start3A_675 = tpu.memref_squeeze %dma_start3A_674 : memref<1x!tpu.dma_semaphore, #tpu.memory_space<semaphore_mem>> -> memref<!tpu.dma_semaphore, #tpu.memory_space<semaphore_mem>>
      %dma_start3A_676 = tpu.memref_slice %arg4[%mul3A_669] : memref<6553600xf32, #tpu.memory_space<hbm>> -> memref<1024xf32, #tpu.memory_space<hbm>>
      %dma_start3A_677 = arith.constant 0 : i32
      %dma_start3A_678 = tpu.memref_slice %arg8[%dma_start3A_677] : memref<8192xf32, #tpu.memory_space<vmem>> -> memref<1024xf32, #tpu.memory_space<vmem>>
      tpu.enqueue_dma source(%dma_start3A_678 : memref<1024xf32, #tpu.memory_space<vmem>>) target(%dma_start3A_676 : memref<1024xf32, #tpu.memory_space<hbm>>) target_semaphore(%dma_start3A_675 : memref<!tpu.dma_semaphore, #tpu.memory_space<semaphore_mem>>)
      %mul3A_679 = arith.constant 8 : i32
      %mul3A_680 = arith.muli %mul3A_679, %add3A_658 : i32
      %add3A_681 = arith.constant 1 : i32
      %add3A_682 = arith.addi %mul3A_680, %add3A_681 : i32
      %mul3A_683 = arith.constant 128 : i32
      %mul3A_684 = arith.muli %add3A_682, %mul3A_683 : i32
      %mul3A_685 = arith.constant 4 : i32
      %mul3A_686 = arith.muli %mul3A_685, %add3A : i32
      %add3A_687 = arith.addi %mul3A_684, %mul3A_686 : i32
      %mul3A_688 = arith.constant 256 : i32
      %mul3A_689 = arith.muli %add3A_687, %mul3A_688 : i32
      %dma_start3A_690 = arith.constant 3 : i32
      %dma_start3A_691 = arith.constant 1024 : i32
      %dma_start3A_692 = tpu.memref_slice %arg8[%dma_start3A_691] : memref<8192xf32, #tpu.memory_space<vmem>> -> memref<1024xf32, #tpu.memory_space<vmem>>
      %dma_start3A_693 = tpu.memref_slice %arg4[%mul3A_689] : memref<6553600xf32, #tpu.memory_space<hbm>> -> memref<1024xf32, #tpu.memory_space<hbm>>
      %dma_start3A_694 = tpu.memref_slice %arg12[%dma_start3A_690] : memref<4x!tpu.dma_semaphore, #tpu.memory_space<semaphore_mem>> -> memref<1x!tpu.dma_semaphore, #tpu.memory_space<semaphore_mem>>
      %dma_start3A_695 = tpu.memref_squeeze %dma_start3A_694 : memref<1x!tpu.dma_semaphore, #tpu.memory_space<semaphore_mem>> -> memref<!tpu.dma_semaphore, #tpu.memory_space<semaphore_mem>>
      %dma_start3A_696 = tpu.memref_slice %arg4[%mul3A_689] : memref<6553600xf32, #tpu.memory_space<hbm>> -> memref<1024xf32, #tpu.memory_space<hbm>>
      %dma_start3A_697 = arith.constant 1024 : i32
      %dma_start3A_698 = tpu.memref_slice %arg8[%dma_start3A_697] : memref<8192xf32, #tpu.memory_space<vmem>> -> memref<1024xf32, #tpu.memory_space<vmem>>
      tpu.enqueue_dma source(%dma_start3A_698 : memref<1024xf32, #tpu.memory_space<vmem>>) target(%dma_start3A_696 : memref<1024xf32, #tpu.memory_space<hbm>>) target_semaphore(%dma_start3A_695 : memref<!tpu.dma_semaphore, #tpu.memory_space<semaphore_mem>>)
      %mul3A_699 = arith.constant 8 : i32
      %mul3A_700 = arith.muli %mul3A_699, %add3A_658 : i32
      %add3A_701 = arith.constant 2 : i32
      %add3A_702 = arith.addi %mul3A_700, %add3A_701 : i32
      %mul3A_703 = arith.constant 128 : i32
      %mul3A_704 = arith.muli %add3A_702, %mul3A_703 : i32
      %mul3A_705 = arith.constant 4 : i32
      %mul3A_706 = arith.muli %mul3A_705, %add3A : i32
      %add3A_707 = arith.addi %mul3A_704, %mul3A_706 : i32
      %mul3A_708 = arith.constant 256 : i32
      %mul3A_709 = arith.muli %add3A_707, %mul3A_708 : i32
      %dma_start3A_710 = arith.constant 3 : i32
      %dma_start3A_711 = arith.constant 2048 : i32
      %dma_start3A_712 = tpu.memref_slice %arg8[%dma_start3A_711] : memref<8192xf32, #tpu.memory_space<vmem>> -> memref<1024xf32, #tpu.memory_space<vmem>>
      %dma_start3A_713 = tpu.memref_slice %arg4[%mul3A_709] : memref<6553600xf32, #tpu.memory_space<hbm>> -> memref<1024xf32, #tpu.memory_space<hbm>>
      %dma_start3A_714 = tpu.memref_slice %arg12[%dma_start3A_710] : memref<4x!tpu.dma_semaphore, #tpu.memory_space<semaphore_mem>> -> memref<1x!tpu.dma_semaphore, #tpu.memory_space<semaphore_mem>>
      %dma_start3A_715 = tpu.memref_squeeze %dma_start3A_714 : memref<1x!tpu.dma_semaphore, #tpu.memory_space<semaphore_mem>> -> memref<!tpu.dma_semaphore, #tpu.memory_space<semaphore_mem>>
      %dma_start3A_716 = tpu.memref_slice %arg4[%mul3A_709] : memref<6553600xf32, #tpu.memory_space<hbm>> -> memref<1024xf32, #tpu.memory_space<hbm>>
      %dma_start3A_717 = arith.constant 2048 : i32
      %dma_start3A_718 = tpu.memref_slice %arg8[%dma_start3A_717] : memref<8192xf32, #tpu.memory_space<vmem>> -> memref<1024xf32, #tpu.memory_space<vmem>>
      tpu.enqueue_dma source(%dma_start3A_718 : memref<1024xf32, #tpu.memory_space<vmem>>) target(%dma_start3A_716 : memref<1024xf32, #tpu.memory_space<hbm>>) target_semaphore(%dma_start3A_715 : memref<!tpu.dma_semaphore, #tpu.memory_space<semaphore_mem>>)
      %mul3A_719 = arith.constant 8 : i32
      %mul3A_720 = arith.muli %mul3A_719, %add3A_658 : i32
      %add3A_721 = arith.constant 3 : i32
      %add3A_722 = arith.addi %mul3A_720, %add3A_721 : i32
      %mul3A_723 = arith.constant 128 : i32
      %mul3A_724 = arith.muli %add3A_722, %mul3A_723 : i32
      %mul3A_725 = arith.constant 4 : i32
      %mul3A_726 = arith.muli %mul3A_725, %add3A : i32
      %add3A_727 = arith.addi %mul3A_724, %mul3A_726 : i32
      %mul3A_728 = arith.constant 256 : i32
      %mul3A_729 = arith.muli %add3A_727, %mul3A_728 : i32
      %dma_start3A_730 = arith.constant 3 : i32
      %dma_start3A_731 = arith.constant 3072 : i32
      %dma_start3A_732 = tpu.memref_slice %arg8[%dma_start3A_731] : memref<8192xf32, #tpu.memory_space<vmem>> -> memref<1024xf32, #tpu.memory_space<vmem>>
      %dma_start3A_733 = tpu.memref_slice %arg4[%mul3A_729] : memref<6553600xf32, #tpu.memory_space<hbm>> -> memref<1024xf32, #tpu.memory_space<hbm>>
      %dma_start3A_734 = tpu.memref_slice %arg12[%dma_start3A_730] : memref<4x!tpu.dma_semaphore, #tpu.memory_space<semaphore_mem>> -> memref<1x!tpu.dma_semaphore, #tpu.memory_space<semaphore_mem>>
      %dma_start3A_735 = tpu.memref_squeeze %dma_start3A_734 : memref<1x!tpu.dma_semaphore, #tpu.memory_space<semaphore_mem>> -> memref<!tpu.dma_semaphore, #tpu.memory_space<semaphore_mem>>
      %dma_start3A_736 = tpu.memref_slice %arg4[%mul3A_729] : memref<6553600xf32, #tpu.memory_space<hbm>> -> memref<1024xf32, #tpu.memory_space<hbm>>
      %dma_start3A_737 = arith.constant 3072 : i32
      %dma_start3A_738 = tpu.memref_slice %arg8[%dma_start3A_737] : memref<8192xf32, #tpu.memory_space<vmem>> -> memref<1024xf32, #tpu.memory_space<vmem>>
      tpu.enqueue_dma source(%dma_start3A_738 : memref<1024xf32, #tpu.memory_space<vmem>>) target(%dma_start3A_736 : memref<1024xf32, #tpu.memory_space<hbm>>) target_semaphore(%dma_start3A_735 : memref<!tpu.dma_semaphore, #tpu.memory_space<semaphore_mem>>)
      %mul3A_739 = arith.constant 8 : i32
      %mul3A_740 = arith.muli %mul3A_739, %add3A_658 : i32
      %add3A_741 = arith.constant 4 : i32
      %add3A_742 = arith.addi %mul3A_740, %add3A_741 : i32
      %mul3A_743 = arith.constant 128 : i32
      %mul3A_744 = arith.muli %add3A_742, %mul3A_743 : i32
      %mul3A_745 = arith.constant 4 : i32
      %mul3A_746 = arith.muli %mul3A_745, %add3A : i32
      %add3A_747 = arith.addi %mul3A_744, %mul3A_746 : i32
      %mul3A_748 = arith.constant 256 : i32
      %mul3A_749 = arith.muli %add3A_747, %mul3A_748 : i32
      %dma_start3A_750 = arith.constant 3 : i32
      %dma_start3A_751 = arith.constant 4096 : i32
      %dma_start3A_752 = tpu.memref_slice %arg8[%dma_start3A_751] : memref<8192xf32, #tpu.memory_space<vmem>> -> memref<1024xf32, #tpu.memory_space<vmem>>
      %dma_start3A_753 = tpu.memref_slice %arg4[%mul3A_749] : memref<6553600xf32, #tpu.memory_space<hbm>> -> memref<1024xf32, #tpu.memory_space<hbm>>
      %dma_start3A_754 = tpu.memref_slice %arg12[%dma_start3A_750] : memref<4x!tpu.dma_semaphore, #tpu.memory_space<semaphore_mem>> -> memref<1x!tpu.dma_semaphore, #tpu.memory_space<semaphore_mem>>
      %dma_start3A_755 = tpu.memref_squeeze %dma_start3A_754 : memref<1x!tpu.dma_semaphore, #tpu.memory_space<semaphore_mem>> -> memref<!tpu.dma_semaphore, #tpu.memory_space<semaphore_mem>>
      %dma_start3A_756 = tpu.memref_slice %arg4[%mul3A_749] : memref<6553600xf32, #tpu.memory_space<hbm>> -> memref<1024xf32, #tpu.memory_space<hbm>>
      %dma_start3A_757 = arith.constant 4096 : i32
      %dma_start3A_758 = tpu.memref_slice %arg8[%dma_start3A_757] : memref<8192xf32, #tpu.memory_space<vmem>> -> memref<1024xf32, #tpu.memory_space<vmem>>
      tpu.enqueue_dma source(%dma_start3A_758 : memref<1024xf32, #tpu.memory_space<vmem>>) target(%dma_start3A_756 : memref<1024xf32, #tpu.memory_space<hbm>>) target_semaphore(%dma_start3A_755 : memref<!tpu.dma_semaphore, #tpu.memory_space<semaphore_mem>>)
      %mul3A_759 = arith.constant 8 : i32
      %mul3A_760 = arith.muli %mul3A_759, %add3A_658 : i32
      %add3A_761 = arith.constant 5 : i32
      %add3A_762 = arith.addi %mul3A_760, %add3A_761 : i32
      %mul3A_763 = arith.constant 128 : i32
      %mul3A_764 = arith.muli %add3A_762, %mul3A_763 : i32
      %mul3A_765 = arith.constant 4 : i32
      %mul3A_766 = arith.muli %mul3A_765, %add3A : i32
      %add3A_767 = arith.addi %mul3A_764, %mul3A_766 : i32
      %mul3A_768 = arith.constant 256 : i32
      %mul3A_769 = arith.muli %add3A_767, %mul3A_768 : i32
      %dma_start3A_770 = arith.constant 3 : i32
      %dma_start3A_771 = arith.constant 5120 : i32
      %dma_start3A_772 = tpu.memref_slice %arg8[%dma_start3A_771] : memref<8192xf32, #tpu.memory_space<vmem>> -> memref<1024xf32, #tpu.memory_space<vmem>>
      %dma_start3A_773 = tpu.memref_slice %arg4[%mul3A_769] : memref<6553600xf32, #tpu.memory_space<hbm>> -> memref<1024xf32, #tpu.memory_space<hbm>>
      %dma_start3A_774 = tpu.memref_slice %arg12[%dma_start3A_770] : memref<4x!tpu.dma_semaphore, #tpu.memory_space<semaphore_mem>> -> memref<1x!tpu.dma_semaphore, #tpu.memory_space<semaphore_mem>>
      %dma_start3A_775 = tpu.memref_squeeze %dma_start3A_774 : memref<1x!tpu.dma_semaphore, #tpu.memory_space<semaphore_mem>> -> memref<!tpu.dma_semaphore, #tpu.memory_space<semaphore_mem>>
      %dma_start3A_776 = tpu.memref_slice %arg4[%mul3A_769] : memref<6553600xf32, #tpu.memory_space<hbm>> -> memref<1024xf32, #tpu.memory_space<hbm>>
      %dma_start3A_777 = arith.constant 5120 : i32
      %dma_start3A_778 = tpu.memref_slice %arg8[%dma_start3A_777] : memref<8192xf32, #tpu.memory_space<vmem>> -> memref<1024xf32, #tpu.memory_space<vmem>>
      tpu.enqueue_dma source(%dma_start3A_778 : memref<1024xf32, #tpu.memory_space<vmem>>) target(%dma_start3A_776 : memref<1024xf32, #tpu.memory_space<hbm>>) target_semaphore(%dma_start3A_775 : memref<!tpu.dma_semaphore, #tpu.memory_space<semaphore_mem>>)
      %mul3A_779 = arith.constant 8 : i32
      %mul3A_780 = arith.muli %mul3A_779, %add3A_658 : i32
      %add3A_781 = arith.constant 6 : i32
      %add3A_782 = arith.addi %mul3A_780, %add3A_781 : i32
      %mul3A_783 = arith.constant 128 : i32
      %mul3A_784 = arith.muli %add3A_782, %mul3A_783 : i32
      %mul3A_785 = arith.constant 4 : i32
      %mul3A_786 = arith.muli %mul3A_785, %add3A : i32
      %add3A_787 = arith.addi %mul3A_784, %mul3A_786 : i32
      %mul3A_788 = arith.constant 256 : i32
      %mul3A_789 = arith.muli %add3A_787, %mul3A_788 : i32
      %dma_start3A_790 = arith.constant 3 : i32
      %dma_start3A_791 = arith.constant 6144 : i32
      %dma_start3A_792 = tpu.memref_slice %arg8[%dma_start3A_791] : memref<8192xf32, #tpu.memory_space<vmem>> -> memref<1024xf32, #tpu.memory_space<vmem>>
      %dma_start3A_793 = tpu.memref_slice %arg4[%mul3A_789] : memref<6553600xf32, #tpu.memory_space<hbm>> -> memref<1024xf32, #tpu.memory_space<hbm>>
      %dma_start3A_794 = tpu.memref_slice %arg12[%dma_start3A_790] : memref<4x!tpu.dma_semaphore, #tpu.memory_space<semaphore_mem>> -> memref<1x!tpu.dma_semaphore, #tpu.memory_space<semaphore_mem>>
      %dma_start3A_795 = tpu.memref_squeeze %dma_start3A_794 : memref<1x!tpu.dma_semaphore, #tpu.memory_space<semaphore_mem>> -> memref<!tpu.dma_semaphore, #tpu.memory_space<semaphore_mem>>
      %dma_start3A_796 = tpu.memref_slice %arg4[%mul3A_789] : memref<6553600xf32, #tpu.memory_space<hbm>> -> memref<1024xf32, #tpu.memory_space<hbm>>
      %dma_start3A_797 = arith.constant 6144 : i32
      %dma_start3A_798 = tpu.memref_slice %arg8[%dma_start3A_797] : memref<8192xf32, #tpu.memory_space<vmem>> -> memref<1024xf32, #tpu.memory_space<vmem>>
      tpu.enqueue_dma source(%dma_start3A_798 : memref<1024xf32, #tpu.memory_space<vmem>>) target(%dma_start3A_796 : memref<1024xf32, #tpu.memory_space<hbm>>) target_semaphore(%dma_start3A_795 : memref<!tpu.dma_semaphore, #tpu.memory_space<semaphore_mem>>)
      %mul3A_799 = arith.constant 8 : i32
      %mul3A_800 = arith.muli %mul3A_799, %add3A_658 : i32
      %add3A_801 = arith.constant 7 : i32
      %add3A_802 = arith.addi %mul3A_800, %add3A_801 : i32
      %mul3A_803 = arith.constant 128 : i32
      %mul3A_804 = arith.muli %add3A_802, %mul3A_803 : i32
      %mul3A_805 = arith.constant 4 : i32
      %mul3A_806 = arith.muli %mul3A_805, %add3A : i32
      %add3A_807 = arith.addi %mul3A_804, %mul3A_806 : i32
      %mul3A_808 = arith.constant 256 : i32
      %mul3A_809 = arith.muli %add3A_807, %mul3A_808 : i32
      %dma_start3A_810 = arith.constant 3 : i32
      %dma_start3A_811 = arith.constant 7168 : i32
      %dma_start3A_812 = tpu.memref_slice %arg8[%dma_start3A_811] : memref<8192xf32, #tpu.memory_space<vmem>> -> memref<1024xf32, #tpu.memory_space<vmem>>
      %dma_start3A_813 = tpu.memref_slice %arg4[%mul3A_809] : memref<6553600xf32, #tpu.memory_space<hbm>> -> memref<1024xf32, #tpu.memory_space<hbm>>
      %dma_start3A_814 = tpu.memref_slice %arg12[%dma_start3A_810] : memref<4x!tpu.dma_semaphore, #tpu.memory_space<semaphore_mem>> -> memref<1x!tpu.dma_semaphore, #tpu.memory_space<semaphore_mem>>
      %dma_start3A_815 = tpu.memref_squeeze %dma_start3A_814 : memref<1x!tpu.dma_semaphore, #tpu.memory_space<semaphore_mem>> -> memref<!tpu.dma_semaphore, #tpu.memory_space<semaphore_mem>>
      %dma_start3A_816 = tpu.memref_slice %arg4[%mul3A_809] : memref<6553600xf32, #tpu.memory_space<hbm>> -> memref<1024xf32, #tpu.memory_space<hbm>>
      %dma_start3A_817 = arith.constant 7168 : i32
      %dma_start3A_818 = tpu.memref_slice %arg8[%dma_start3A_817] : memref<8192xf32, #tpu.memory_space<vmem>> -> memref<1024xf32, #tpu.memory_space<vmem>>
      tpu.enqueue_dma source(%dma_start3A_818 : memref<1024xf32, #tpu.memory_space<vmem>>) target(%dma_start3A_816 : memref<1024xf32, #tpu.memory_space<hbm>>) target_semaphore(%dma_start3A_815 : memref<!tpu.dma_semaphore, #tpu.memory_space<semaphore_mem>>)
      %lt3A = arith.constant 11 : i32
      %lt3A_819 = arith.cmpi slt, %scan3A_453, %lt3A : i32
      %convert_element_type3A_820 = arith.extui %lt3A_819 : i1 to i32
      %cond3A_821 = arith.constant 0 : i32
      %cond3A_822 = arith.cmpi ne, %convert_element_type3A_820, %cond3A_821 : i32
      scf.if %cond3A_822 {
        %add3A_823 = arith.constant 3 : i32
        %add3A_824 = arith.addi %mul3A_455, %add3A_823 : i32
        %mul3A_825 = arith.constant 128 : i32
        %mul3A_826 = arith.muli %add3A_824, %mul3A_825 : i32
        %mul3A_827 = arith.constant 4 : i32
        %mul3A_828 = arith.muli %mul3A_827, %add3A : i32
        %add3A_829 = arith.addi %mul3A_826, %mul3A_828 : i32
        %mul3A_830 = arith.constant 1024 : i32
        %mul3A_831 = arith.muli %add3A_829, %mul3A_830 : i32
        %dma_start3A_832 = arith.constant 1 : i32
        %dma_start3A_833 = tpu.memref_slice %arg3[%mul3A_831] : memref<3276800xi32, #tpu.memory_space<hbm>> -> memref<4096xi32, #tpu.memory_space<hbm>>
        %dma_start3A_834 = tpu.memref_slice %arg12[%dma_start3A_832] : memref<4x!tpu.dma_semaphore, #tpu.memory_space<semaphore_mem>> -> memref<1x!tpu.dma_semaphore, #tpu.memory_space<semaphore_mem>>
        %dma_start3A_835 = tpu.memref_squeeze %dma_start3A_834 : memref<1x!tpu.dma_semaphore, #tpu.memory_space<semaphore_mem>> -> memref<!tpu.dma_semaphore, #tpu.memory_space<semaphore_mem>>
        %dma_start3A_836 = tpu.memref_slice %arg3[%mul3A_831] : memref<3276800xi32, #tpu.memory_space<hbm>> -> memref<4096xi32, #tpu.memory_space<hbm>>
        tpu.enqueue_dma source(%dma_start3A_836 : memref<4096xi32, #tpu.memory_space<hbm>>) target(%arg6 : memref<4096xi32, #tpu.memory_space<vmem>>) target_semaphore(%dma_start3A_835 : memref<!tpu.dma_semaphore, #tpu.memory_space<semaphore_mem>>)
      } else {
      }
    }
    %scan3A_60 = arith.constant 12 : i32
    %dma_wait3A = arith.constant 0 : i32
    %dma_wait3A_61 = arith.constant 0 : i32
    %dma_wait3A_62 = tpu.memref_slice %arg3[%dma_wait3A_61] : memref<3276800xi32, #tpu.memory_space<hbm>> -> memref<4096xi32, #tpu.memory_space<hbm>>
    %dma_wait3A_63 = tpu.memref_slice %arg12[%dma_wait3A] : memref<4x!tpu.dma_semaphore, #tpu.memory_space<semaphore_mem>> -> memref<1x!tpu.dma_semaphore, #tpu.memory_space<semaphore_mem>>
    %dma_wait3A_64 = tpu.memref_squeeze %dma_wait3A_63 : memref<1x!tpu.dma_semaphore, #tpu.memory_space<semaphore_mem>> -> memref<!tpu.dma_semaphore, #tpu.memory_space<semaphore_mem>>
    %dma_wait3A_65 = arith.constant 0 : i32
    %dma_wait3A_66 = tpu.memref_slice %arg3[%dma_wait3A_65] : memref<3276800xi32, #tpu.memory_space<hbm>> -> memref<4096xi32, #tpu.memory_space<hbm>>
    tpu.wait_dma2 semaphore(%dma_wait3A_64 : memref<!tpu.dma_semaphore, #tpu.memory_space<semaphore_mem>>) src(%dma_wait3A_66 : memref<4096xi32, #tpu.memory_space<hbm>>) dst(%arg5 : memref<4096xi32, #tpu.memory_space<vmem>>)
    %dma_wait3A_67 = arith.constant 2 : i32
    %dma_wait3A_68 = arith.constant 0 : i32
    %dma_wait3A_69 = tpu.memref_slice %arg7[%dma_wait3A_68] : memref<8192xf32, #tpu.memory_space<vmem>> -> memref<1024xf32, #tpu.memory_space<vmem>>
    %dma_wait3A_70 = arith.constant 0 : i32
    %dma_wait3A_71 = tpu.memref_slice %arg4[%dma_wait3A_70] : memref<6553600xf32, #tpu.memory_space<hbm>> -> memref<1024xf32, #tpu.memory_space<hbm>>
    %dma_wait3A_72 = tpu.memref_slice %arg12[%dma_wait3A_67] : memref<4x!tpu.dma_semaphore, #tpu.memory_space<semaphore_mem>> -> memref<1x!tpu.dma_semaphore, #tpu.memory_space<semaphore_mem>>
    %dma_wait3A_73 = tpu.memref_squeeze %dma_wait3A_72 : memref<1x!tpu.dma_semaphore, #tpu.memory_space<semaphore_mem>> -> memref<!tpu.dma_semaphore, #tpu.memory_space<semaphore_mem>>
    %dma_wait3A_74 = arith.constant 0 : i32
    %dma_wait3A_75 = tpu.memref_slice %arg4[%dma_wait3A_74] : memref<6553600xf32, #tpu.memory_space<hbm>> -> memref<1024xf32, #tpu.memory_space<hbm>>
    %dma_wait3A_76 = arith.constant 0 : i32
    %dma_wait3A_77 = tpu.memref_slice %arg7[%dma_wait3A_76] : memref<8192xf32, #tpu.memory_space<vmem>> -> memref<1024xf32, #tpu.memory_space<vmem>>
    tpu.wait_dma2 semaphore(%dma_wait3A_73 : memref<!tpu.dma_semaphore, #tpu.memory_space<semaphore_mem>>) src(%dma_wait3A_77 : memref<1024xf32, #tpu.memory_space<vmem>>) dst(%dma_wait3A_75 : memref<1024xf32, #tpu.memory_space<hbm>>)
    %dma_wait3A_78 = arith.constant 2 : i32
    %dma_wait3A_79 = arith.constant 1024 : i32
    %dma_wait3A_80 = tpu.memref_slice %arg7[%dma_wait3A_79] : memref<8192xf32, #tpu.memory_space<vmem>> -> memref<1024xf32, #tpu.memory_space<vmem>>
    %dma_wait3A_81 = arith.constant 1024 : i32
    %dma_wait3A_82 = tpu.memref_slice %arg4[%dma_wait3A_81] : memref<6553600xf32, #tpu.memory_space<hbm>> -> memref<1024xf32, #tpu.memory_space<hbm>>
    %dma_wait3A_83 = tpu.memref_slice %arg12[%dma_wait3A_78] : memref<4x!tpu.dma_semaphore, #tpu.memory_space<semaphore_mem>> -> memref<1x!tpu.dma_semaphore, #tpu.memory_space<semaphore_mem>>
    %dma_wait3A_84 = tpu.memref_squeeze %dma_wait3A_83 : memref<1x!tpu.dma_semaphore, #tpu.memory_space<semaphore_mem>> -> memref<!tpu.dma_semaphore, #tpu.memory_space<semaphore_mem>>
    %dma_wait3A_85 = arith.constant 1024 : i32
    %dma_wait3A_86 = tpu.memref_slice %arg4[%dma_wait3A_85] : memref<6553600xf32, #tpu.memory_space<hbm>> -> memref<1024xf32, #tpu.memory_space<hbm>>
    %dma_wait3A_87 = arith.constant 1024 : i32
    %dma_wait3A_88 = tpu.memref_slice %arg7[%dma_wait3A_87] : memref<8192xf32, #tpu.memory_space<vmem>> -> memref<1024xf32, #tpu.memory_space<vmem>>
    tpu.wait_dma2 semaphore(%dma_wait3A_84 : memref<!tpu.dma_semaphore, #tpu.memory_space<semaphore_mem>>) src(%dma_wait3A_88 : memref<1024xf32, #tpu.memory_space<vmem>>) dst(%dma_wait3A_86 : memref<1024xf32, #tpu.memory_space<hbm>>)
    %dma_wait3A_89 = arith.constant 2 : i32
    %dma_wait3A_90 = arith.constant 2048 : i32
    %dma_wait3A_91 = tpu.memref_slice %arg7[%dma_wait3A_90] : memref<8192xf32, #tpu.memory_space<vmem>> -> memref<1024xf32, #tpu.memory_space<vmem>>
    %dma_wait3A_92 = arith.constant 2048 : i32
    %dma_wait3A_93 = tpu.memref_slice %arg4[%dma_wait3A_92] : memref<6553600xf32, #tpu.memory_space<hbm>> -> memref<1024xf32, #tpu.memory_space<hbm>>
    %dma_wait3A_94 = tpu.memref_slice %arg12[%dma_wait3A_89] : memref<4x!tpu.dma_semaphore, #tpu.memory_space<semaphore_mem>> -> memref<1x!tpu.dma_semaphore, #tpu.memory_space<semaphore_mem>>
    %dma_wait3A_95 = tpu.memref_squeeze %dma_wait3A_94 : memref<1x!tpu.dma_semaphore, #tpu.memory_space<semaphore_mem>> -> memref<!tpu.dma_semaphore, #tpu.memory_space<semaphore_mem>>
    %dma_wait3A_96 = arith.constant 2048 : i32
    %dma_wait3A_97 = tpu.memref_slice %arg4[%dma_wait3A_96] : memref<6553600xf32, #tpu.memory_space<hbm>> -> memref<1024xf32, #tpu.memory_space<hbm>>
    %dma_wait3A_98 = arith.constant 2048 : i32
    %dma_wait3A_99 = tpu.memref_slice %arg7[%dma_wait3A_98] : memref<8192xf32, #tpu.memory_space<vmem>> -> memref<1024xf32, #tpu.memory_space<vmem>>
    tpu.wait_dma2 semaphore(%dma_wait3A_95 : memref<!tpu.dma_semaphore, #tpu.memory_space<semaphore_mem>>) src(%dma_wait3A_99 : memref<1024xf32, #tpu.memory_space<vmem>>) dst(%dma_wait3A_97 : memref<1024xf32, #tpu.memory_space<hbm>>)
    %dma_wait3A_100 = arith.constant 2 : i32
    %dma_wait3A_101 = arith.constant 3072 : i32
    %dma_wait3A_102 = tpu.memref_slice %arg7[%dma_wait3A_101] : memref<8192xf32, #tpu.memory_space<vmem>> -> memref<1024xf32, #tpu.memory_space<vmem>>
    %dma_wait3A_103 = arith.constant 3072 : i32
    %dma_wait3A_104 = tpu.memref_slice %arg4[%dma_wait3A_103] : memref<6553600xf32, #tpu.memory_space<hbm>> -> memref<1024xf32, #tpu.memory_space<hbm>>
    %dma_wait3A_105 = tpu.memref_slice %arg12[%dma_wait3A_100] : memref<4x!tpu.dma_semaphore, #tpu.memory_space<semaphore_mem>> -> memref<1x!tpu.dma_semaphore, #tpu.memory_space<semaphore_mem>>
    %dma_wait3A_106 = tpu.memref_squeeze %dma_wait3A_105 : memref<1x!tpu.dma_semaphore, #tpu.memory_space<semaphore_mem>> -> memref<!tpu.dma_semaphore, #tpu.memory_space<semaphore_mem>>
    %dma_wait3A_107 = arith.constant 3072 : i32
    %dma_wait3A_108 = tpu.memref_slice %arg4[%dma_wait3A_107] : memref<6553600xf32, #tpu.memory_space<hbm>> -> memref<1024xf32, #tpu.memory_space<hbm>>
    %dma_wait3A_109 = arith.constant 3072 : i32
    %dma_wait3A_110 = tpu.memref_slice %arg7[%dma_wait3A_109] : memref<8192xf32, #tpu.memory_space<vmem>> -> memref<1024xf32, #tpu.memory_space<vmem>>
    tpu.wait_dma2 semaphore(%dma_wait3A_106 : memref<!tpu.dma_semaphore, #tpu.memory_space<semaphore_mem>>) src(%dma_wait3A_110 : memref<1024xf32, #tpu.memory_space<vmem>>) dst(%dma_wait3A_108 : memref<1024xf32, #tpu.memory_space<hbm>>)
    %dma_wait3A_111 = arith.constant 2 : i32
    %dma_wait3A_112 = arith.constant 4096 : i32
    %dma_wait3A_113 = tpu.memref_slice %arg7[%dma_wait3A_112] : memref<8192xf32, #tpu.memory_space<vmem>> -> memref<1024xf32, #tpu.memory_space<vmem>>
    %dma_wait3A_114 = arith.constant 4096 : i32
    %dma_wait3A_115 = tpu.memref_slice %arg4[%dma_wait3A_114] : memref<6553600xf32, #tpu.memory_space<hbm>> -> memref<1024xf32, #tpu.memory_space<hbm>>
    %dma_wait3A_116 = tpu.memref_slice %arg12[%dma_wait3A_111] : memref<4x!tpu.dma_semaphore, #tpu.memory_space<semaphore_mem>> -> memref<1x!tpu.dma_semaphore, #tpu.memory_space<semaphore_mem>>
    %dma_wait3A_117 = tpu.memref_squeeze %dma_wait3A_116 : memref<1x!tpu.dma_semaphore, #tpu.memory_space<semaphore_mem>> -> memref<!tpu.dma_semaphore, #tpu.memory_space<semaphore_mem>>
    %dma_wait3A_118 = arith.constant 4096 : i32
    %dma_wait3A_119 = tpu.memref_slice %arg4[%dma_wait3A_118] : memref<6553600xf32, #tpu.memory_space<hbm>> -> memref<1024xf32, #tpu.memory_space<hbm>>
    %dma_wait3A_120 = arith.constant 4096 : i32
    %dma_wait3A_121 = tpu.memref_slice %arg7[%dma_wait3A_120] : memref<8192xf32, #tpu.memory_space<vmem>> -> memref<1024xf32, #tpu.memory_space<vmem>>
    tpu.wait_dma2 semaphore(%dma_wait3A_117 : memref<!tpu.dma_semaphore, #tpu.memory_space<semaphore_mem>>) src(%dma_wait3A_121 : memref<1024xf32, #tpu.memory_space<vmem>>) dst(%dma_wait3A_119 : memref<1024xf32, #tpu.memory_space<hbm>>)
    %dma_wait3A_122 = arith.constant 2 : i32
    %dma_wait3A_123 = arith.constant 5120 : i32
    %dma_wait3A_124 = tpu.memref_slice %arg7[%dma_wait3A_123] : memref<8192xf32, #tpu.memory_space<vmem>> -> memref<1024xf32, #tpu.memory_space<vmem>>
    %dma_wait3A_125 = arith.constant 5120 : i32
    %dma_wait3A_126 = tpu.memref_slice %arg4[%dma_wait3A_125] : memref<6553600xf32, #tpu.memory_space<hbm>> -> memref<1024xf32, #tpu.memory_space<hbm>>
    %dma_wait3A_127 = tpu.memref_slice %arg12[%dma_wait3A_122] : memref<4x!tpu.dma_semaphore, #tpu.memory_space<semaphore_mem>> -> memref<1x!tpu.dma_semaphore, #tpu.memory_space<semaphore_mem>>
    %dma_wait3A_128 = tpu.memref_squeeze %dma_wait3A_127 : memref<1x!tpu.dma_semaphore, #tpu.memory_space<semaphore_mem>> -> memref<!tpu.dma_semaphore, #tpu.memory_space<semaphore_mem>>
    %dma_wait3A_129 = arith.constant 5120 : i32
    %dma_wait3A_130 = tpu.memref_slice %arg4[%dma_wait3A_129] : memref<6553600xf32, #tpu.memory_space<hbm>> -> memref<1024xf32, #tpu.memory_space<hbm>>
    %dma_wait3A_131 = arith.constant 5120 : i32
    %dma_wait3A_132 = tpu.memref_slice %arg7[%dma_wait3A_131] : memref<8192xf32, #tpu.memory_space<vmem>> -> memref<1024xf32, #tpu.memory_space<vmem>>
    tpu.wait_dma2 semaphore(%dma_wait3A_128 : memref<!tpu.dma_semaphore, #tpu.memory_space<semaphore_mem>>) src(%dma_wait3A_132 : memref<1024xf32, #tpu.memory_space<vmem>>) dst(%dma_wait3A_130 : memref<1024xf32, #tpu.memory_space<hbm>>)
    %dma_wait3A_133 = arith.constant 2 : i32
    %dma_wait3A_134 = arith.constant 6144 : i32
    %dma_wait3A_135 = tpu.memref_slice %arg7[%dma_wait3A_134] : memref<8192xf32, #tpu.memory_space<vmem>> -> memref<1024xf32, #tpu.memory_space<vmem>>
    %dma_wait3A_136 = arith.constant 6144 : i32
    %dma_wait3A_137 = tpu.memref_slice %arg4[%dma_wait3A_136] : memref<6553600xf32, #tpu.memory_space<hbm>> -> memref<1024xf32, #tpu.memory_space<hbm>>
    %dma_wait3A_138 = tpu.memref_slice %arg12[%dma_wait3A_133] : memref<4x!tpu.dma_semaphore, #tpu.memory_space<semaphore_mem>> -> memref<1x!tpu.dma_semaphore, #tpu.memory_space<semaphore_mem>>
    %dma_wait3A_139 = tpu.memref_squeeze %dma_wait3A_138 : memref<1x!tpu.dma_semaphore, #tpu.memory_space<semaphore_mem>> -> memref<!tpu.dma_semaphore, #tpu.memory_space<semaphore_mem>>
    %dma_wait3A_140 = arith.constant 6144 : i32
    %dma_wait3A_141 = tpu.memref_slice %arg4[%dma_wait3A_140] : memref<6553600xf32, #tpu.memory_space<hbm>> -> memref<1024xf32, #tpu.memory_space<hbm>>
    %dma_wait3A_142 = arith.constant 6144 : i32
    %dma_wait3A_143 = tpu.memref_slice %arg7[%dma_wait3A_142] : memref<8192xf32, #tpu.memory_space<vmem>> -> memref<1024xf32, #tpu.memory_space<vmem>>
    tpu.wait_dma2 semaphore(%dma_wait3A_139 : memref<!tpu.dma_semaphore, #tpu.memory_space<semaphore_mem>>) src(%dma_wait3A_143 : memref<1024xf32, #tpu.memory_space<vmem>>) dst(%dma_wait3A_141 : memref<1024xf32, #tpu.memory_space<hbm>>)
    %dma_wait3A_144 = arith.constant 2 : i32
    %dma_wait3A_145 = arith.constant 7168 : i32
    %dma_wait3A_146 = tpu.memref_slice %arg7[%dma_wait3A_145] : memref<8192xf32, #tpu.memory_space<vmem>> -> memref<1024xf32, #tpu.memory_space<vmem>>
    %dma_wait3A_147 = arith.constant 7168 : i32
    %dma_wait3A_148 = tpu.memref_slice %arg4[%dma_wait3A_147] : memref<6553600xf32, #tpu.memory_space<hbm>> -> memref<1024xf32, #tpu.memory_space<hbm>>
    %dma_wait3A_149 = tpu.memref_slice %arg12[%dma_wait3A_144] : memref<4x!tpu.dma_semaphore, #tpu.memory_space<semaphore_mem>> -> memref<1x!tpu.dma_semaphore, #tpu.memory_space<semaphore_mem>>
    %dma_wait3A_150 = tpu.memref_squeeze %dma_wait3A_149 : memref<1x!tpu.dma_semaphore, #tpu.memory_space<semaphore_mem>> -> memref<!tpu.dma_semaphore, #tpu.memory_space<semaphore_mem>>
    %dma_wait3A_151 = arith.constant 7168 : i32
    %dma_wait3A_152 = tpu.memref_slice %arg4[%dma_wait3A_151] : memref<6553600xf32, #tpu.memory_space<hbm>> -> memref<1024xf32, #tpu.memory_space<hbm>>
    %dma_wait3A_153 = arith.constant 7168 : i32
    %dma_wait3A_154 = tpu.memref_slice %arg7[%dma_wait3A_153] : memref<8192xf32, #tpu.memory_space<vmem>> -> memref<1024xf32, #tpu.memory_space<vmem>>
    tpu.wait_dma2 semaphore(%dma_wait3A_150 : memref<!tpu.dma_semaphore, #tpu.memory_space<semaphore_mem>>) src(%dma_wait3A_154 : memref<1024xf32, #tpu.memory_space<vmem>>) dst(%dma_wait3A_152 : memref<1024xf32, #tpu.memory_space<hbm>>)
    %parallel_loop3A = arith.constant 0 : i32
    %parallel_loop3A_155 = arith.constant 256 : i32
    %parallel_loop3A_156 = arith.constant 1 : i32
    scf.for %parallel_loop3A_453 = %parallel_loop3A to %parallel_loop3A_155 step %parallel_loop3A_156  : i32 {
      %parallel_loop3A_454 = arith.constant 16 : i32
      %parallel_loop3A_455 = arith.muli %parallel_loop3A_453, %parallel_loop3A_454 : i32
      %parallel_loop3A_456 = arith.index_cast %parallel_loop3A_455 : i32 to index
      %parallel_loop3A_457 = tpu.vector_load %arg5[%parallel_loop3A_456] {strides = array<i32>} : memref<4096xi32, #tpu.memory_space<vmem>>, vector<16xi32>,
      %parallel_loop3A_458 = arith.constant 2 : i32
      %parallel_loop3A_459 = vector.broadcast %parallel_loop3A_458 : i32 to vector<16xi32>
      %parallel_loop3A_460 = arith.muli %parallel_loop3A_457, %parallel_loop3A_459 : vector<16xi32>
      %parallel_loop3A_461 = tpu.vector_load_idx %arg9[%parallel_loop3A_460] : memref<16xf32, #tpu.memory_space<vmem>>[vector<16xi32>], vector<16xf32>,
      %parallel_loop3A_462 = arith.constant 1 : i32
      %parallel_loop3A_463 = vector.broadcast %parallel_loop3A_462 : i32 to vector<16xi32>
      %parallel_loop3A_464 = arith.addi %parallel_loop3A_460, %parallel_loop3A_463 : vector<16xi32>
      %parallel_loop3A_465 = tpu.vector_load_idx %arg9[%parallel_loop3A_464] : memref<16xf32, #tpu.memory_space<vmem>>[vector<16xi32>], vector<16xf32>,
      %parallel_loop3A_466 = arith.constant 6 : i32
      %parallel_loop3A_467 = arith.shrsi %parallel_loop3A_453, %parallel_loop3A_466 : i32
      %parallel_loop3A_468 = arith.constant 63 : i32
      %parallel_loop3A_469 = arith.andi %parallel_loop3A_453, %parallel_loop3A_468 : i32
      %parallel_loop3A_470 = arith.constant 3 : i32
      %parallel_loop3A_471 = arith.shrsi %parallel_loop3A_469, %parallel_loop3A_470 : i32
      %parallel_loop3A_472 = arith.constant 1024 : i32
      %parallel_loop3A_473 = arith.muli %parallel_loop3A_471, %parallel_loop3A_472 : i32
      %parallel_loop3A_474 = arith.constant 256 : i32
      %parallel_loop3A_475 = arith.muli %parallel_loop3A_467, %parallel_loop3A_474 : i32
      %parallel_loop3A_476 = arith.addi %parallel_loop3A_473, %parallel_loop3A_475 : i32
      %parallel_loop3A_477 = arith.constant 7 : i32
      %parallel_loop3A_478 = arith.andi %parallel_loop3A_469, %parallel_loop3A_477 : i32
      %parallel_loop3A_479 = arith.constant 16 : i32
      %parallel_loop3A_480 = arith.muli %parallel_loop3A_478, %parallel_loop3A_479 : i32
      %parallel_loop3A_481 = arith.addi %parallel_loop3A_476, %parallel_loop3A_480 : i32
      %parallel_loop3A_482 = arith.index_cast %parallel_loop3A_481 : i32 to index
      %parallel_loop3A_483 = tpu.vector_load %arg7[%parallel_loop3A_482] {strides = array<i32>} : memref<8192xf32, #tpu.memory_space<vmem>>, vector<16xf32>,
      tpu.vector_store %arg7[%parallel_loop3A_482], %parallel_loop3A_461 {strides = array<i32>} : memref<8192xf32, #tpu.memory_space<vmem>>, vector<16xf32>,
      %parallel_loop3A_484 = arith.constant 128 : i32
      %parallel_loop3A_485 = arith.addi %parallel_loop3A_481, %parallel_loop3A_484 : i32
      %parallel_loop3A_486 = arith.index_cast %parallel_loop3A_485 : i32 to index
      %parallel_loop3A_487 = tpu.vector_load %arg7[%parallel_loop3A_486] {strides = array<i32>} : memref<8192xf32, #tpu.memory_space<vmem>>, vector<16xf32>,
      tpu.vector_store %arg7[%parallel_loop3A_486], %parallel_loop3A_465 {strides = array<i32>} : memref<8192xf32, #tpu.memory_space<vmem>>, vector<16xf32>,
    } {sc.loop_unroll_factor = 8 : i64, sc.parallel_access}
    %mul3A_157 = arith.constant 4 : i32
    %mul3A_158 = arith.muli %mul3A_157, %add3A : i32
    %add3A_159 = arith.constant 24576 : i32
    %add3A_160 = arith.addi %add3A_159, %mul3A_158 : i32
    %mul3A_161 = arith.constant 256 : i32
    %mul3A_162 = arith.muli %add3A_160, %mul3A_161 : i32
    %dma_start3A_163 = arith.constant 2 : i32
    %dma_start3A_164 = arith.constant 0 : i32
    %dma_start3A_165 = tpu.memref_slice %arg7[%dma_start3A_164] : memref<8192xf32, #tpu.memory_space<vmem>> -> memref<1024xf32, #tpu.memory_space<vmem>>
    %dma_start3A_166 = tpu.memref_slice %arg4[%mul3A_162] : memref<6553600xf32, #tpu.memory_space<hbm>> -> memref<1024xf32, #tpu.memory_space<hbm>>
    %dma_start3A_167 = tpu.memref_slice %arg12[%dma_start3A_163] : memref<4x!tpu.dma_semaphore, #tpu.memory_space<semaphore_mem>> -> memref<1x!tpu.dma_semaphore, #tpu.memory_space<semaphore_mem>>
    %dma_start3A_168 = tpu.memref_squeeze %dma_start3A_167 : memref<1x!tpu.dma_semaphore, #tpu.memory_space<semaphore_mem>> -> memref<!tpu.dma_semaphore, #tpu.memory_space<semaphore_mem>>
    %dma_start3A_169 = tpu.memref_slice %arg4[%mul3A_162] : memref<6553600xf32, #tpu.memory_space<hbm>> -> memref<1024xf32, #tpu.memory_space<hbm>>
    %dma_start3A_170 = arith.constant 0 : i32
    %dma_start3A_171 = tpu.memref_slice %arg7[%dma_start3A_170] : memref<8192xf32, #tpu.memory_space<vmem>> -> memref<1024xf32, #tpu.memory_space<vmem>>
    tpu.enqueue_dma source(%dma_start3A_171 : memref<1024xf32, #tpu.memory_space<vmem>>) target(%dma_start3A_169 : memref<1024xf32, #tpu.memory_space<hbm>>) target_semaphore(%dma_start3A_168 : memref<!tpu.dma_semaphore, #tpu.memory_space<semaphore_mem>>)
    %mul3A_172 = arith.constant 4 : i32
    %mul3A_173 = arith.muli %mul3A_172, %add3A : i32
    %add3A_174 = arith.constant 24704 : i32
    %add3A_175 = arith.addi %add3A_174, %mul3A_173 : i32
    %mul3A_176 = arith.constant 256 : i32
    %mul3A_177 = arith.muli %add3A_175, %mul3A_176 : i32
    %dma_start3A_178 = arith.constant 2 : i32
    %dma_start3A_179 = arith.constant 1024 : i32
    %dma_start3A_180 = tpu.memref_slice %arg7[%dma_start3A_179] : memref<8192xf32, #tpu.memory_space<vmem>> -> memref<1024xf32, #tpu.memory_space<vmem>>
    %dma_start3A_181 = tpu.memref_slice %arg4[%mul3A_177] : memref<6553600xf32, #tpu.memory_space<hbm>> -> memref<1024xf32, #tpu.memory_space<hbm>>
    %dma_start3A_182 = tpu.memref_slice %arg12[%dma_start3A_178] : memref<4x!tpu.dma_semaphore, #tpu.memory_space<semaphore_mem>> -> memref<1x!tpu.dma_semaphore, #tpu.memory_space<semaphore_mem>>
    %dma_start3A_183 = tpu.memref_squeeze %dma_start3A_182 : memref<1x!tpu.dma_semaphore, #tpu.memory_space<semaphore_mem>> -> memref<!tpu.dma_semaphore, #tpu.memory_space<semaphore_mem>>
    %dma_start3A_184 = tpu.memref_slice %arg4[%mul3A_177] : memref<6553600xf32, #tpu.memory_space<hbm>> -> memref<1024xf32, #tpu.memory_space<hbm>>
    %dma_start3A_185 = arith.constant 1024 : i32
    %dma_start3A_186 = tpu.memref_slice %arg7[%dma_start3A_185] : memref<8192xf32, #tpu.memory_space<vmem>> -> memref<1024xf32, #tpu.memory_space<vmem>>
    tpu.enqueue_dma source(%dma_start3A_186 : memref<1024xf32, #tpu.memory_space<vmem>>) target(%dma_start3A_184 : memref<1024xf32, #tpu.memory_space<hbm>>) target_semaphore(%dma_start3A_183 : memref<!tpu.dma_semaphore, #tpu.memory_space<semaphore_mem>>)
    %mul3A_187 = arith.constant 4 : i32
    %mul3A_188 = arith.muli %mul3A_187, %add3A : i32
    %add3A_189 = arith.constant 24832 : i32
    %add3A_190 = arith.addi %add3A_189, %mul3A_188 : i32
    %mul3A_191 = arith.constant 256 : i32
    %mul3A_192 = arith.muli %add3A_190, %mul3A_191 : i32
    %dma_start3A_193 = arith.constant 2 : i32
    %dma_start3A_194 = arith.constant 2048 : i32
    %dma_start3A_195 = tpu.memref_slice %arg7[%dma_start3A_194] : memref<8192xf32, #tpu.memory_space<vmem>> -> memref<1024xf32, #tpu.memory_space<vmem>>
    %dma_start3A_196 = tpu.memref_slice %arg4[%mul3A_192] : memref<6553600xf32, #tpu.memory_space<hbm>> -> memref<1024xf32, #tpu.memory_space<hbm>>
    %dma_start3A_197 = tpu.memref_slice %arg12[%dma_start3A_193] : memref<4x!tpu.dma_semaphore, #tpu.memory_space<semaphore_mem>> -> memref<1x!tpu.dma_semaphore, #tpu.memory_space<semaphore_mem>>
    %dma_start3A_198 = tpu.memref_squeeze %dma_start3A_197 : memref<1x!tpu.dma_semaphore, #tpu.memory_space<semaphore_mem>> -> memref<!tpu.dma_semaphore, #tpu.memory_space<semaphore_mem>>
    %dma_start3A_199 = tpu.memref_slice %arg4[%mul3A_192] : memref<6553600xf32, #tpu.memory_space<hbm>> -> memref<1024xf32, #tpu.memory_space<hbm>>
    %dma_start3A_200 = arith.constant 2048 : i32
    %dma_start3A_201 = tpu.memref_slice %arg7[%dma_start3A_200] : memref<8192xf32, #tpu.memory_space<vmem>> -> memref<1024xf32, #tpu.memory_space<vmem>>
    tpu.enqueue_dma source(%dma_start3A_201 : memref<1024xf32, #tpu.memory_space<vmem>>) target(%dma_start3A_199 : memref<1024xf32, #tpu.memory_space<hbm>>) target_semaphore(%dma_start3A_198 : memref<!tpu.dma_semaphore, #tpu.memory_space<semaphore_mem>>)
    %mul3A_202 = arith.constant 4 : i32
    %mul3A_203 = arith.muli %mul3A_202, %add3A : i32
    %add3A_204 = arith.constant 24960 : i32
    %add3A_205 = arith.addi %add3A_204, %mul3A_203 : i32
    %mul3A_206 = arith.constant 256 : i32
    %mul3A_207 = arith.muli %add3A_205, %mul3A_206 : i32
    %dma_start3A_208 = arith.constant 2 : i32
    %dma_start3A_209 = arith.constant 3072 : i32
    %dma_start3A_210 = tpu.memref_slice %arg7[%dma_start3A_209] : memref<8192xf32, #tpu.memory_space<vmem>> -> memref<1024xf32, #tpu.memory_space<vmem>>
    %dma_start3A_211 = tpu.memref_slice %arg4[%mul3A_207] : memref<6553600xf32, #tpu.memory_space<hbm>> -> memref<1024xf32, #tpu.memory_space<hbm>>
    %dma_start3A_212 = tpu.memref_slice %arg12[%dma_start3A_208] : memref<4x!tpu.dma_semaphore, #tpu.memory_space<semaphore_mem>> -> memref<1x!tpu.dma_semaphore, #tpu.memory_space<semaphore_mem>>
    %dma_start3A_213 = tpu.memref_squeeze %dma_start3A_212 : memref<1x!tpu.dma_semaphore, #tpu.memory_space<semaphore_mem>> -> memref<!tpu.dma_semaphore, #tpu.memory_space<semaphore_mem>>
    %dma_start3A_214 = tpu.memref_slice %arg4[%mul3A_207] : memref<6553600xf32, #tpu.memory_space<hbm>> -> memref<1024xf32, #tpu.memory_space<hbm>>
    %dma_start3A_215 = arith.constant 3072 : i32
    %dma_start3A_216 = tpu.memref_slice %arg7[%dma_start3A_215] : memref<8192xf32, #tpu.memory_space<vmem>> -> memref<1024xf32, #tpu.memory_space<vmem>>
    tpu.enqueue_dma source(%dma_start3A_216 : memref<1024xf32, #tpu.memory_space<vmem>>) target(%dma_start3A_214 : memref<1024xf32, #tpu.memory_space<hbm>>) target_semaphore(%dma_start3A_213 : memref<!tpu.dma_semaphore, #tpu.memory_space<semaphore_mem>>)
    %mul3A_217 = arith.constant 4 : i32
    %mul3A_218 = arith.muli %mul3A_217, %add3A : i32
    %add3A_219 = arith.constant 25088 : i32
    %add3A_220 = arith.addi %add3A_219, %mul3A_218 : i32
    %mul3A_221 = arith.constant 256 : i32
    %mul3A_222 = arith.muli %add3A_220, %mul3A_221 : i32
    %dma_start3A_223 = arith.constant 2 : i32
    %dma_start3A_224 = arith.constant 4096 : i32
    %dma_start3A_225 = tpu.memref_slice %arg7[%dma_start3A_224] : memref<8192xf32, #tpu.memory_space<vmem>> -> memref<1024xf32, #tpu.memory_space<vmem>>
    %dma_start3A_226 = tpu.memref_slice %arg4[%mul3A_222] : memref<6553600xf32, #tpu.memory_space<hbm>> -> memref<1024xf32, #tpu.memory_space<hbm>>
    %dma_start3A_227 = tpu.memref_slice %arg12[%dma_start3A_223] : memref<4x!tpu.dma_semaphore, #tpu.memory_space<semaphore_mem>> -> memref<1x!tpu.dma_semaphore, #tpu.memory_space<semaphore_mem>>
    %dma_start3A_228 = tpu.memref_squeeze %dma_start3A_227 : memref<1x!tpu.dma_semaphore, #tpu.memory_space<semaphore_mem>> -> memref<!tpu.dma_semaphore, #tpu.memory_space<semaphore_mem>>
    %dma_start3A_229 = tpu.memref_slice %arg4[%mul3A_222] : memref<6553600xf32, #tpu.memory_space<hbm>> -> memref<1024xf32, #tpu.memory_space<hbm>>
    %dma_start3A_230 = arith.constant 4096 : i32
    %dma_start3A_231 = tpu.memref_slice %arg7[%dma_start3A_230] : memref<8192xf32, #tpu.memory_space<vmem>> -> memref<1024xf32, #tpu.memory_space<vmem>>
    tpu.enqueue_dma source(%dma_start3A_231 : memref<1024xf32, #tpu.memory_space<vmem>>) target(%dma_start3A_229 : memref<1024xf32, #tpu.memory_space<hbm>>) target_semaphore(%dma_start3A_228 : memref<!tpu.dma_semaphore, #tpu.memory_space<semaphore_mem>>)
    %mul3A_232 = arith.constant 4 : i32
    %mul3A_233 = arith.muli %mul3A_232, %add3A : i32
    %add3A_234 = arith.constant 25216 : i32
    %add3A_235 = arith.addi %add3A_234, %mul3A_233 : i32
    %mul3A_236 = arith.constant 256 : i32
    %mul3A_237 = arith.muli %add3A_235, %mul3A_236 : i32
    %dma_start3A_238 = arith.constant 2 : i32
    %dma_start3A_239 = arith.constant 5120 : i32
    %dma_start3A_240 = tpu.memref_slice %arg7[%dma_start3A_239] : memref<8192xf32, #tpu.memory_space<vmem>> -> memref<1024xf32, #tpu.memory_space<vmem>>
    %dma_start3A_241 = tpu.memref_slice %arg4[%mul3A_237] : memref<6553600xf32, #tpu.memory_space<hbm>> -> memref<1024xf32, #tpu.memory_space<hbm>>
    %dma_start3A_242 = tpu.memref_slice %arg12[%dma_start3A_238] : memref<4x!tpu.dma_semaphore, #tpu.memory_space<semaphore_mem>> -> memref<1x!tpu.dma_semaphore, #tpu.memory_space<semaphore_mem>>
    %dma_start3A_243 = tpu.memref_squeeze %dma_start3A_242 : memref<1x!tpu.dma_semaphore, #tpu.memory_space<semaphore_mem>> -> memref<!tpu.dma_semaphore, #tpu.memory_space<semaphore_mem>>
    %dma_start3A_244 = tpu.memref_slice %arg4[%mul3A_237] : memref<6553600xf32, #tpu.memory_space<hbm>> -> memref<1024xf32, #tpu.memory_space<hbm>>
    %dma_start3A_245 = arith.constant 5120 : i32
    %dma_start3A_246 = tpu.memref_slice %arg7[%dma_start3A_245] : memref<8192xf32, #tpu.memory_space<vmem>> -> memref<1024xf32, #tpu.memory_space<vmem>>
    tpu.enqueue_dma source(%dma_start3A_246 : memref<1024xf32, #tpu.memory_space<vmem>>) target(%dma_start3A_244 : memref<1024xf32, #tpu.memory_space<hbm>>) target_semaphore(%dma_start3A_243 : memref<!tpu.dma_semaphore, #tpu.memory_space<semaphore_mem>>)
    %mul3A_247 = arith.constant 4 : i32
    %mul3A_248 = arith.muli %mul3A_247, %add3A : i32
    %add3A_249 = arith.constant 25344 : i32
    %add3A_250 = arith.addi %add3A_249, %mul3A_248 : i32
    %mul3A_251 = arith.constant 256 : i32
    %mul3A_252 = arith.muli %add3A_250, %mul3A_251 : i32
    %dma_start3A_253 = arith.constant 2 : i32
    %dma_start3A_254 = arith.constant 6144 : i32
    %dma_start3A_255 = tpu.memref_slice %arg7[%dma_start3A_254] : memref<8192xf32, #tpu.memory_space<vmem>> -> memref<1024xf32, #tpu.memory_space<vmem>>
    %dma_start3A_256 = tpu.memref_slice %arg4[%mul3A_252] : memref<6553600xf32, #tpu.memory_space<hbm>> -> memref<1024xf32, #tpu.memory_space<hbm>>
    %dma_start3A_257 = tpu.memref_slice %arg12[%dma_start3A_253] : memref<4x!tpu.dma_semaphore, #tpu.memory_space<semaphore_mem>> -> memref<1x!tpu.dma_semaphore, #tpu.memory_space<semaphore_mem>>
    %dma_start3A_258 = tpu.memref_squeeze %dma_start3A_257 : memref<1x!tpu.dma_semaphore, #tpu.memory_space<semaphore_mem>> -> memref<!tpu.dma_semaphore, #tpu.memory_space<semaphore_mem>>
    %dma_start3A_259 = tpu.memref_slice %arg4[%mul3A_252] : memref<6553600xf32, #tpu.memory_space<hbm>> -> memref<1024xf32, #tpu.memory_space<hbm>>
    %dma_start3A_260 = arith.constant 6144 : i32
    %dma_start3A_261 = tpu.memref_slice %arg7[%dma_start3A_260] : memref<8192xf32, #tpu.memory_space<vmem>> -> memref<1024xf32, #tpu.memory_space<vmem>>
    tpu.enqueue_dma source(%dma_start3A_261 : memref<1024xf32, #tpu.memory_space<vmem>>) target(%dma_start3A_259 : memref<1024xf32, #tpu.memory_space<hbm>>) target_semaphore(%dma_start3A_258 : memref<!tpu.dma_semaphore, #tpu.memory_space<semaphore_mem>>)
    %mul3A_262 = arith.constant 4 : i32
    %mul3A_263 = arith.muli %mul3A_262, %add3A : i32
    %add3A_264 = arith.constant 25472 : i32
    %add3A_265 = arith.addi %add3A_264, %mul3A_263 : i32
    %mul3A_266 = arith.constant 256 : i32
    %mul3A_267 = arith.muli %add3A_265, %mul3A_266 : i32
    %dma_start3A_268 = arith.constant 2 : i32
    %dma_start3A_269 = arith.constant 7168 : i32
    %dma_start3A_270 = tpu.memref_slice %arg7[%dma_start3A_269] : memref<8192xf32, #tpu.memory_space<vmem>> -> memref<1024xf32, #tpu.memory_space<vmem>>
    %dma_start3A_271 = tpu.memref_slice %arg4[%mul3A_267] : memref<6553600xf32, #tpu.memory_space<hbm>> -> memref<1024xf32, #tpu.memory_space<hbm>>
    %dma_start3A_272 = tpu.memref_slice %arg12[%dma_start3A_268] : memref<4x!tpu.dma_semaphore, #tpu.memory_space<semaphore_mem>> -> memref<1x!tpu.dma_semaphore, #tpu.memory_space<semaphore_mem>>
    %dma_start3A_273 = tpu.memref_squeeze %dma_start3A_272 : memref<1x!tpu.dma_semaphore, #tpu.memory_space<semaphore_mem>> -> memref<!tpu.dma_semaphore, #tpu.memory_space<semaphore_mem>>
    %dma_start3A_274 = tpu.memref_slice %arg4[%mul3A_267] : memref<6553600xf32, #tpu.memory_space<hbm>> -> memref<1024xf32, #tpu.memory_space<hbm>>
    %dma_start3A_275 = arith.constant 7168 : i32
    %dma_start3A_276 = tpu.memref_slice %arg7[%dma_start3A_275] : memref<8192xf32, #tpu.memory_space<vmem>> -> memref<1024xf32, #tpu.memory_space<vmem>>
    tpu.enqueue_dma source(%dma_start3A_276 : memref<1024xf32, #tpu.memory_space<vmem>>) target(%dma_start3A_274 : memref<1024xf32, #tpu.memory_space<hbm>>) target_semaphore(%dma_start3A_273 : memref<!tpu.dma_semaphore, #tpu.memory_space<semaphore_mem>>)
    %dma_wait3A_277 = arith.constant 3 : i32
    %dma_wait3A_278 = arith.constant 0 : i32
    %dma_wait3A_279 = tpu.memref_slice %arg8[%dma_wait3A_278] : memref<8192xf32, #tpu.memory_space<vmem>> -> memref<1024xf32, #tpu.memory_space<vmem>>
    %dma_wait3A_280 = arith.constant 0 : i32
    %dma_wait3A_281 = tpu.memref_slice %arg4[%dma_wait3A_280] : memref<6553600xf32, #tpu.memory_space<hbm>> -> memref<1024xf32, #tpu.memory_space<hbm>>
    %dma_wait3A_282 = tpu.memref_slice %arg12[%dma_wait3A_277] : memref<4x!tpu.dma_semaphore, #tpu.memory_space<semaphore_mem>> -> memref<1x!tpu.dma_semaphore, #tpu.memory_space<semaphore_mem>>
    %dma_wait3A_283 = tpu.memref_squeeze %dma_wait3A_282 : memref<1x!tpu.dma_semaphore, #tpu.memory_space<semaphore_mem>> -> memref<!tpu.dma_semaphore, #tpu.memory_space<semaphore_mem>>
    %dma_wait3A_284 = arith.constant 0 : i32
    %dma_wait3A_285 = tpu.memref_slice %arg4[%dma_wait3A_284] : memref<6553600xf32, #tpu.memory_space<hbm>> -> memref<1024xf32, #tpu.memory_space<hbm>>
    %dma_wait3A_286 = arith.constant 0 : i32
    %dma_wait3A_287 = tpu.memref_slice %arg8[%dma_wait3A_286] : memref<8192xf32, #tpu.memory_space<vmem>> -> memref<1024xf32, #tpu.memory_space<vmem>>
    tpu.wait_dma2 semaphore(%dma_wait3A_283 : memref<!tpu.dma_semaphore, #tpu.memory_space<semaphore_mem>>) src(%dma_wait3A_287 : memref<1024xf32, #tpu.memory_space<vmem>>) dst(%dma_wait3A_285 : memref<1024xf32, #tpu.memory_space<hbm>>)
    %dma_wait3A_288 = arith.constant 3 : i32
    %dma_wait3A_289 = arith.constant 1024 : i32
    %dma_wait3A_290 = tpu.memref_slice %arg8[%dma_wait3A_289] : memref<8192xf32, #tpu.memory_space<vmem>> -> memref<1024xf32, #tpu.memory_space<vmem>>
    %dma_wait3A_291 = arith.constant 1024 : i32
    %dma_wait3A_292 = tpu.memref_slice %arg4[%dma_wait3A_291] : memref<6553600xf32, #tpu.memory_space<hbm>> -> memref<1024xf32, #tpu.memory_space<hbm>>
    %dma_wait3A_293 = tpu.memref_slice %arg12[%dma_wait3A_288] : memref<4x!tpu.dma_semaphore, #tpu.memory_space<semaphore_mem>> -> memref<1x!tpu.dma_semaphore, #tpu.memory_space<semaphore_mem>>
    %dma_wait3A_294 = tpu.memref_squeeze %dma_wait3A_293 : memref<1x!tpu.dma_semaphore, #tpu.memory_space<semaphore_mem>> -> memref<!tpu.dma_semaphore, #tpu.memory_space<semaphore_mem>>
    %dma_wait3A_295 = arith.constant 1024 : i32
    %dma_wait3A_296 = tpu.memref_slice %arg4[%dma_wait3A_295] : memref<6553600xf32, #tpu.memory_space<hbm>> -> memref<1024xf32, #tpu.memory_space<hbm>>
    %dma_wait3A_297 = arith.constant 1024 : i32
    %dma_wait3A_298 = tpu.memref_slice %arg8[%dma_wait3A_297] : memref<8192xf32, #tpu.memory_space<vmem>> -> memref<1024xf32, #tpu.memory_space<vmem>>
    tpu.wait_dma2 semaphore(%dma_wait3A_294 : memref<!tpu.dma_semaphore, #tpu.memory_space<semaphore_mem>>) src(%dma_wait3A_298 : memref<1024xf32, #tpu.memory_space<vmem>>) dst(%dma_wait3A_296 : memref<1024xf32, #tpu.memory_space<hbm>>)
    %dma_wait3A_299 = arith.constant 3 : i32
    %dma_wait3A_300 = arith.constant 2048 : i32
    %dma_wait3A_301 = tpu.memref_slice %arg8[%dma_wait3A_300] : memref<8192xf32, #tpu.memory_space<vmem>> -> memref<1024xf32, #tpu.memory_space<vmem>>
    %dma_wait3A_302 = arith.constant 2048 : i32
    %dma_wait3A_303 = tpu.memref_slice %arg4[%dma_wait3A_302] : memref<6553600xf32, #tpu.memory_space<hbm>> -> memref<1024xf32, #tpu.memory_space<hbm>>
    %dma_wait3A_304 = tpu.memref_slice %arg12[%dma_wait3A_299] : memref<4x!tpu.dma_semaphore, #tpu.memory_space<semaphore_mem>> -> memref<1x!tpu.dma_semaphore, #tpu.memory_space<semaphore_mem>>
    %dma_wait3A_305 = tpu.memref_squeeze %dma_wait3A_304 : memref<1x!tpu.dma_semaphore, #tpu.memory_space<semaphore_mem>> -> memref<!tpu.dma_semaphore, #tpu.memory_space<semaphore_mem>>
    %dma_wait3A_306 = arith.constant 2048 : i32
    %dma_wait3A_307 = tpu.memref_slice %arg4[%dma_wait3A_306] : memref<6553600xf32, #tpu.memory_space<hbm>> -> memref<1024xf32, #tpu.memory_space<hbm>>
    %dma_wait3A_308 = arith.constant 2048 : i32
    %dma_wait3A_309 = tpu.memref_slice %arg8[%dma_wait3A_308] : memref<8192xf32, #tpu.memory_space<vmem>> -> memref<1024xf32, #tpu.memory_space<vmem>>
    tpu.wait_dma2 semaphore(%dma_wait3A_305 : memref<!tpu.dma_semaphore, #tpu.memory_space<semaphore_mem>>) src(%dma_wait3A_309 : memref<1024xf32, #tpu.memory_space<vmem>>) dst(%dma_wait3A_307 : memref<1024xf32, #tpu.memory_space<hbm>>)
    %dma_wait3A_310 = arith.constant 3 : i32
    %dma_wait3A_311 = arith.constant 3072 : i32
    %dma_wait3A_312 = tpu.memref_slice %arg8[%dma_wait3A_311] : memref<8192xf32, #tpu.memory_space<vmem>> -> memref<1024xf32, #tpu.memory_space<vmem>>
    %dma_wait3A_313 = arith.constant 3072 : i32
    %dma_wait3A_314 = tpu.memref_slice %arg4[%dma_wait3A_313] : memref<6553600xf32, #tpu.memory_space<hbm>> -> memref<1024xf32, #tpu.memory_space<hbm>>
    %dma_wait3A_315 = tpu.memref_slice %arg12[%dma_wait3A_310] : memref<4x!tpu.dma_semaphore, #tpu.memory_space<semaphore_mem>> -> memref<1x!tpu.dma_semaphore, #tpu.memory_space<semaphore_mem>>
    %dma_wait3A_316 = tpu.memref_squeeze %dma_wait3A_315 : memref<1x!tpu.dma_semaphore, #tpu.memory_space<semaphore_mem>> -> memref<!tpu.dma_semaphore, #tpu.memory_space<semaphore_mem>>
    %dma_wait3A_317 = arith.constant 3072 : i32
    %dma_wait3A_318 = tpu.memref_slice %arg4[%dma_wait3A_317] : memref<6553600xf32, #tpu.memory_space<hbm>> -> memref<1024xf32, #tpu.memory_space<hbm>>
    %dma_wait3A_319 = arith.constant 3072 : i32
    %dma_wait3A_320 = tpu.memref_slice %arg8[%dma_wait3A_319] : memref<8192xf32, #tpu.memory_space<vmem>> -> memref<1024xf32, #tpu.memory_space<vmem>>
    tpu.wait_dma2 semaphore(%dma_wait3A_316 : memref<!tpu.dma_semaphore, #tpu.memory_space<semaphore_mem>>) src(%dma_wait3A_320 : memref<1024xf32, #tpu.memory_space<vmem>>) dst(%dma_wait3A_318 : memref<1024xf32, #tpu.memory_space<hbm>>)
    %dma_wait3A_321 = arith.constant 3 : i32
    %dma_wait3A_322 = arith.constant 4096 : i32
    %dma_wait3A_323 = tpu.memref_slice %arg8[%dma_wait3A_322] : memref<8192xf32, #tpu.memory_space<vmem>> -> memref<1024xf32, #tpu.memory_space<vmem>>
    %dma_wait3A_324 = arith.constant 4096 : i32
    %dma_wait3A_325 = tpu.memref_slice %arg4[%dma_wait3A_324] : memref<6553600xf32, #tpu.memory_space<hbm>> -> memref<1024xf32, #tpu.memory_space<hbm>>
    %dma_wait3A_326 = tpu.memref_slice %arg12[%dma_wait3A_321] : memref<4x!tpu.dma_semaphore, #tpu.memory_space<semaphore_mem>> -> memref<1x!tpu.dma_semaphore, #tpu.memory_space<semaphore_mem>>
    %dma_wait3A_327 = tpu.memref_squeeze %dma_wait3A_326 : memref<1x!tpu.dma_semaphore, #tpu.memory_space<semaphore_mem>> -> memref<!tpu.dma_semaphore, #tpu.memory_space<semaphore_mem>>
    %dma_wait3A_328 = arith.constant 4096 : i32
    %dma_wait3A_329 = tpu.memref_slice %arg4[%dma_wait3A_328] : memref<6553600xf32, #tpu.memory_space<hbm>> -> memref<1024xf32, #tpu.memory_space<hbm>>
    %dma_wait3A_330 = arith.constant 4096 : i32
    %dma_wait3A_331 = tpu.memref_slice %arg8[%dma_wait3A_330] : memref<8192xf32, #tpu.memory_space<vmem>> -> memref<1024xf32, #tpu.memory_space<vmem>>
    tpu.wait_dma2 semaphore(%dma_wait3A_327 : memref<!tpu.dma_semaphore, #tpu.memory_space<semaphore_mem>>) src(%dma_wait3A_331 : memref<1024xf32, #tpu.memory_space<vmem>>) dst(%dma_wait3A_329 : memref<1024xf32, #tpu.memory_space<hbm>>)
    %dma_wait3A_332 = arith.constant 3 : i32
    %dma_wait3A_333 = arith.constant 5120 : i32
    %dma_wait3A_334 = tpu.memref_slice %arg8[%dma_wait3A_333] : memref<8192xf32, #tpu.memory_space<vmem>> -> memref<1024xf32, #tpu.memory_space<vmem>>
    %dma_wait3A_335 = arith.constant 5120 : i32
    %dma_wait3A_336 = tpu.memref_slice %arg4[%dma_wait3A_335] : memref<6553600xf32, #tpu.memory_space<hbm>> -> memref<1024xf32, #tpu.memory_space<hbm>>
    %dma_wait3A_337 = tpu.memref_slice %arg12[%dma_wait3A_332] : memref<4x!tpu.dma_semaphore, #tpu.memory_space<semaphore_mem>> -> memref<1x!tpu.dma_semaphore, #tpu.memory_space<semaphore_mem>>
    %dma_wait3A_338 = tpu.memref_squeeze %dma_wait3A_337 : memref<1x!tpu.dma_semaphore, #tpu.memory_space<semaphore_mem>> -> memref<!tpu.dma_semaphore, #tpu.memory_space<semaphore_mem>>
    %dma_wait3A_339 = arith.constant 5120 : i32
    %dma_wait3A_340 = tpu.memref_slice %arg4[%dma_wait3A_339] : memref<6553600xf32, #tpu.memory_space<hbm>> -> memref<1024xf32, #tpu.memory_space<hbm>>
    %dma_wait3A_341 = arith.constant 5120 : i32
    %dma_wait3A_342 = tpu.memref_slice %arg8[%dma_wait3A_341] : memref<8192xf32, #tpu.memory_space<vmem>> -> memref<1024xf32, #tpu.memory_space<vmem>>
    tpu.wait_dma2 semaphore(%dma_wait3A_338 : memref<!tpu.dma_semaphore, #tpu.memory_space<semaphore_mem>>) src(%dma_wait3A_342 : memref<1024xf32, #tpu.memory_space<vmem>>) dst(%dma_wait3A_340 : memref<1024xf32, #tpu.memory_space<hbm>>)
    %dma_wait3A_343 = arith.constant 3 : i32
    %dma_wait3A_344 = arith.constant 6144 : i32
    %dma_wait3A_345 = tpu.memref_slice %arg8[%dma_wait3A_344] : memref<8192xf32, #tpu.memory_space<vmem>> -> memref<1024xf32, #tpu.memory_space<vmem>>
    %dma_wait3A_346 = arith.constant 6144 : i32
    %dma_wait3A_347 = tpu.memref_slice %arg4[%dma_wait3A_346] : memref<6553600xf32, #tpu.memory_space<hbm>> -> memref<1024xf32, #tpu.memory_space<hbm>>
    %dma_wait3A_348 = tpu.memref_slice %arg12[%dma_wait3A_343] : memref<4x!tpu.dma_semaphore, #tpu.memory_space<semaphore_mem>> -> memref<1x!tpu.dma_semaphore, #tpu.memory_space<semaphore_mem>>
    %dma_wait3A_349 = tpu.memref_squeeze %dma_wait3A_348 : memref<1x!tpu.dma_semaphore, #tpu.memory_space<semaphore_mem>> -> memref<!tpu.dma_semaphore, #tpu.memory_space<semaphore_mem>>
    %dma_wait3A_350 = arith.constant 6144 : i32
    %dma_wait3A_351 = tpu.memref_slice %arg4[%dma_wait3A_350] : memref<6553600xf32, #tpu.memory_space<hbm>> -> memref<1024xf32, #tpu.memory_space<hbm>>
    %dma_wait3A_352 = arith.constant 6144 : i32
    %dma_wait3A_353 = tpu.memref_slice %arg8[%dma_wait3A_352] : memref<8192xf32, #tpu.memory_space<vmem>> -> memref<1024xf32, #tpu.memory_space<vmem>>
    tpu.wait_dma2 semaphore(%dma_wait3A_349 : memref<!tpu.dma_semaphore, #tpu.memory_space<semaphore_mem>>) src(%dma_wait3A_353 : memref<1024xf32, #tpu.memory_space<vmem>>) dst(%dma_wait3A_351 : memref<1024xf32, #tpu.memory_space<hbm>>)
    %dma_wait3A_354 = arith.constant 3 : i32
    %dma_wait3A_355 = arith.constant 7168 : i32
    %dma_wait3A_356 = tpu.memref_slice %arg8[%dma_wait3A_355] : memref<8192xf32, #tpu.memory_space<vmem>> -> memref<1024xf32, #tpu.memory_space<vmem>>
    %dma_wait3A_357 = arith.constant 7168 : i32
    %dma_wait3A_358 = tpu.memref_slice %arg4[%dma_wait3A_357] : memref<6553600xf32, #tpu.memory_space<hbm>> -> memref<1024xf32, #tpu.memory_space<hbm>>
    %dma_wait3A_359 = tpu.memref_slice %arg12[%dma_wait3A_354] : memref<4x!tpu.dma_semaphore, #tpu.memory_space<semaphore_mem>> -> memref<1x!tpu.dma_semaphore, #tpu.memory_space<semaphore_mem>>
    %dma_wait3A_360 = tpu.memref_squeeze %dma_wait3A_359 : memref<1x!tpu.dma_semaphore, #tpu.memory_space<semaphore_mem>> -> memref<!tpu.dma_semaphore, #tpu.memory_space<semaphore_mem>>
    %dma_wait3A_361 = arith.constant 7168 : i32
    %dma_wait3A_362 = tpu.memref_slice %arg4[%dma_wait3A_361] : memref<6553600xf32, #tpu.memory_space<hbm>> -> memref<1024xf32, #tpu.memory_space<hbm>>
    %dma_wait3A_363 = arith.constant 7168 : i32
    %dma_wait3A_364 = tpu.memref_slice %arg8[%dma_wait3A_363] : memref<8192xf32, #tpu.memory_space<vmem>> -> memref<1024xf32, #tpu.memory_space<vmem>>
    tpu.wait_dma2 semaphore(%dma_wait3A_360 : memref<!tpu.dma_semaphore, #tpu.memory_space<semaphore_mem>>) src(%dma_wait3A_364 : memref<1024xf32, #tpu.memory_space<vmem>>) dst(%dma_wait3A_362 : memref<1024xf32, #tpu.memory_space<hbm>>)
    %dma_wait3A_365 = arith.constant 2 : i32
    %dma_wait3A_366 = arith.constant 0 : i32
    %dma_wait3A_367 = tpu.memref_slice %arg7[%dma_wait3A_366] : memref<8192xf32, #tpu.memory_space<vmem>> -> memref<1024xf32, #tpu.memory_space<vmem>>
    %dma_wait3A_368 = arith.constant 0 : i32
    %dma_wait3A_369 = tpu.memref_slice %arg4[%dma_wait3A_368] : memref<6553600xf32, #tpu.memory_space<hbm>> -> memref<1024xf32, #tpu.memory_space<hbm>>
    %dma_wait3A_370 = tpu.memref_slice %arg12[%dma_wait3A_365] : memref<4x!tpu.dma_semaphore, #tpu.memory_space<semaphore_mem>> -> memref<1x!tpu.dma_semaphore, #tpu.memory_space<semaphore_mem>>
    %dma_wait3A_371 = tpu.memref_squeeze %dma_wait3A_370 : memref<1x!tpu.dma_semaphore, #tpu.memory_space<semaphore_mem>> -> memref<!tpu.dma_semaphore, #tpu.memory_space<semaphore_mem>>
    %dma_wait3A_372 = arith.constant 0 : i32
    %dma_wait3A_373 = tpu.memref_slice %arg4[%dma_wait3A_372] : memref<6553600xf32, #tpu.memory_space<hbm>> -> memref<1024xf32, #tpu.memory_space<hbm>>
    %dma_wait3A_374 = arith.constant 0 : i32
    %dma_wait3A_375 = tpu.memref_slice %arg7[%dma_wait3A_374] : memref<8192xf32, #tpu.memory_space<vmem>> -> memref<1024xf32, #tpu.memory_space<vmem>>
    tpu.wait_dma2 semaphore(%dma_wait3A_371 : memref<!tpu.dma_semaphore, #tpu.memory_space<semaphore_mem>>) src(%dma_wait3A_375 : memref<1024xf32, #tpu.memory_space<vmem>>) dst(%dma_wait3A_373 : memref<1024xf32, #tpu.memory_space<hbm>>)
    %dma_wait3A_376 = arith.constant 2 : i32
    %dma_wait3A_377 = arith.constant 1024 : i32
    %dma_wait3A_378 = tpu.memref_slice %arg7[%dma_wait3A_377] : memref<8192xf32, #tpu.memory_space<vmem>> -> memref<1024xf32, #tpu.memory_space<vmem>>
    %dma_wait3A_379 = arith.constant 1024 : i32
    %dma_wait3A_380 = tpu.memref_slice %arg4[%dma_wait3A_379] : memref<6553600xf32, #tpu.memory_space<hbm>> -> memref<1024xf32, #tpu.memory_space<hbm>>
    %dma_wait3A_381 = tpu.memref_slice %arg12[%dma_wait3A_376] : memref<4x!tpu.dma_semaphore, #tpu.memory_space<semaphore_mem>> -> memref<1x!tpu.dma_semaphore, #tpu.memory_space<semaphore_mem>>
    %dma_wait3A_382 = tpu.memref_squeeze %dma_wait3A_381 : memref<1x!tpu.dma_semaphore, #tpu.memory_space<semaphore_mem>> -> memref<!tpu.dma_semaphore, #tpu.memory_space<semaphore_mem>>
    %dma_wait3A_383 = arith.constant 1024 : i32
    %dma_wait3A_384 = tpu.memref_slice %arg4[%dma_wait3A_383] : memref<6553600xf32, #tpu.memory_space<hbm>> -> memref<1024xf32, #tpu.memory_space<hbm>>
    %dma_wait3A_385 = arith.constant 1024 : i32
    %dma_wait3A_386 = tpu.memref_slice %arg7[%dma_wait3A_385] : memref<8192xf32, #tpu.memory_space<vmem>> -> memref<1024xf32, #tpu.memory_space<vmem>>
    tpu.wait_dma2 semaphore(%dma_wait3A_382 : memref<!tpu.dma_semaphore, #tpu.memory_space<semaphore_mem>>) src(%dma_wait3A_386 : memref<1024xf32, #tpu.memory_space<vmem>>) dst(%dma_wait3A_384 : memref<1024xf32, #tpu.memory_space<hbm>>)
    %dma_wait3A_387 = arith.constant 2 : i32
    %dma_wait3A_388 = arith.constant 2048 : i32
    %dma_wait3A_389 = tpu.memref_slice %arg7[%dma_wait3A_388] : memref<8192xf32, #tpu.memory_space<vmem>> -> memref<1024xf32, #tpu.memory_space<vmem>>
    %dma_wait3A_390 = arith.constant 2048 : i32
    %dma_wait3A_391 = tpu.memref_slice %arg4[%dma_wait3A_390] : memref<6553600xf32, #tpu.memory_space<hbm>> -> memref<1024xf32, #tpu.memory_space<hbm>>
    %dma_wait3A_392 = tpu.memref_slice %arg12[%dma_wait3A_387] : memref<4x!tpu.dma_semaphore, #tpu.memory_space<semaphore_mem>> -> memref<1x!tpu.dma_semaphore, #tpu.memory_space<semaphore_mem>>
    %dma_wait3A_393 = tpu.memref_squeeze %dma_wait3A_392 : memref<1x!tpu.dma_semaphore, #tpu.memory_space<semaphore_mem>> -> memref<!tpu.dma_semaphore, #tpu.memory_space<semaphore_mem>>
    %dma_wait3A_394 = arith.constant 2048 : i32
    %dma_wait3A_395 = tpu.memref_slice %arg4[%dma_wait3A_394] : memref<6553600xf32, #tpu.memory_space<hbm>> -> memref<1024xf32, #tpu.memory_space<hbm>>
    %dma_wait3A_396 = arith.constant 2048 : i32
    %dma_wait3A_397 = tpu.memref_slice %arg7[%dma_wait3A_396] : memref<8192xf32, #tpu.memory_space<vmem>> -> memref<1024xf32, #tpu.memory_space<vmem>>
    tpu.wait_dma2 semaphore(%dma_wait3A_393 : memref<!tpu.dma_semaphore, #tpu.memory_space<semaphore_mem>>) src(%dma_wait3A_397 : memref<1024xf32, #tpu.memory_space<vmem>>) dst(%dma_wait3A_395 : memref<1024xf32, #tpu.memory_space<hbm>>)
    %dma_wait3A_398 = arith.constant 2 : i32
    %dma_wait3A_399 = arith.constant 3072 : i32
    %dma_wait3A_400 = tpu.memref_slice %arg7[%dma_wait3A_399] : memref<8192xf32, #tpu.memory_space<vmem>> -> memref<1024xf32, #tpu.memory_space<vmem>>
    %dma_wait3A_401 = arith.constant 3072 : i32
    %dma_wait3A_402 = tpu.memref_slice %arg4[%dma_wait3A_401] : memref<6553600xf32, #tpu.memory_space<hbm>> -> memref<1024xf32, #tpu.memory_space<hbm>>
    %dma_wait3A_403 = tpu.memref_slice %arg12[%dma_wait3A_398] : memref<4x!tpu.dma_semaphore, #tpu.memory_space<semaphore_mem>> -> memref<1x!tpu.dma_semaphore, #tpu.memory_space<semaphore_mem>>
    %dma_wait3A_404 = tpu.memref_squeeze %dma_wait3A_403 : memref<1x!tpu.dma_semaphore, #tpu.memory_space<semaphore_mem>> -> memref<!tpu.dma_semaphore, #tpu.memory_space<semaphore_mem>>
    %dma_wait3A_405 = arith.constant 3072 : i32
    %dma_wait3A_406 = tpu.memref_slice %arg4[%dma_wait3A_405] : memref<6553600xf32, #tpu.memory_space<hbm>> -> memref<1024xf32, #tpu.memory_space<hbm>>
    %dma_wait3A_407 = arith.constant 3072 : i32
    %dma_wait3A_408 = tpu.memref_slice %arg7[%dma_wait3A_407] : memref<8192xf32, #tpu.memory_space<vmem>> -> memref<1024xf32, #tpu.memory_space<vmem>>
    tpu.wait_dma2 semaphore(%dma_wait3A_404 : memref<!tpu.dma_semaphore, #tpu.memory_space<semaphore_mem>>) src(%dma_wait3A_408 : memref<1024xf32, #tpu.memory_space<vmem>>) dst(%dma_wait3A_406 : memref<1024xf32, #tpu.memory_space<hbm>>)
    %dma_wait3A_409 = arith.constant 2 : i32
    %dma_wait3A_410 = arith.constant 4096 : i32
    %dma_wait3A_411 = tpu.memref_slice %arg7[%dma_wait3A_410] : memref<8192xf32, #tpu.memory_space<vmem>> -> memref<1024xf32, #tpu.memory_space<vmem>>
    %dma_wait3A_412 = arith.constant 4096 : i32
    %dma_wait3A_413 = tpu.memref_slice %arg4[%dma_wait3A_412] : memref<6553600xf32, #tpu.memory_space<hbm>> -> memref<1024xf32, #tpu.memory_space<hbm>>
    %dma_wait3A_414 = tpu.memref_slice %arg12[%dma_wait3A_409] : memref<4x!tpu.dma_semaphore, #tpu.memory_space<semaphore_mem>> -> memref<1x!tpu.dma_semaphore, #tpu.memory_space<semaphore_mem>>
    %dma_wait3A_415 = tpu.memref_squeeze %dma_wait3A_414 : memref<1x!tpu.dma_semaphore, #tpu.memory_space<semaphore_mem>> -> memref<!tpu.dma_semaphore, #tpu.memory_space<semaphore_mem>>
    %dma_wait3A_416 = arith.constant 4096 : i32
    %dma_wait3A_417 = tpu.memref_slice %arg4[%dma_wait3A_416] : memref<6553600xf32, #tpu.memory_space<hbm>> -> memref<1024xf32, #tpu.memory_space<hbm>>
    %dma_wait3A_418 = arith.constant 4096 : i32
    %dma_wait3A_419 = tpu.memref_slice %arg7[%dma_wait3A_418] : memref<8192xf32, #tpu.memory_space<vmem>> -> memref<1024xf32, #tpu.memory_space<vmem>>
    tpu.wait_dma2 semaphore(%dma_wait3A_415 : memref<!tpu.dma_semaphore, #tpu.memory_space<semaphore_mem>>) src(%dma_wait3A_419 : memref<1024xf32, #tpu.memory_space<vmem>>) dst(%dma_wait3A_417 : memref<1024xf32, #tpu.memory_space<hbm>>)
    %dma_wait3A_420 = arith.constant 2 : i32
    %dma_wait3A_421 = arith.constant 5120 : i32
    %dma_wait3A_422 = tpu.memref_slice %arg7[%dma_wait3A_421] : memref<8192xf32, #tpu.memory_space<vmem>> -> memref<1024xf32, #tpu.memory_space<vmem>>
    %dma_wait3A_423 = arith.constant 5120 : i32
    %dma_wait3A_424 = tpu.memref_slice %arg4[%dma_wait3A_423] : memref<6553600xf32, #tpu.memory_space<hbm>> -> memref<1024xf32, #tpu.memory_space<hbm>>
    %dma_wait3A_425 = tpu.memref_slice %arg12[%dma_wait3A_420] : memref<4x!tpu.dma_semaphore, #tpu.memory_space<semaphore_mem>> -> memref<1x!tpu.dma_semaphore, #tpu.memory_space<semaphore_mem>>
    %dma_wait3A_426 = tpu.memref_squeeze %dma_wait3A_425 : memref<1x!tpu.dma_semaphore, #tpu.memory_space<semaphore_mem>> -> memref<!tpu.dma_semaphore, #tpu.memory_space<semaphore_mem>>
    %dma_wait3A_427 = arith.constant 5120 : i32
    %dma_wait3A_428 = tpu.memref_slice %arg4[%dma_wait3A_427] : memref<6553600xf32, #tpu.memory_space<hbm>> -> memref<1024xf32, #tpu.memory_space<hbm>>
    %dma_wait3A_429 = arith.constant 5120 : i32
    %dma_wait3A_430 = tpu.memref_slice %arg7[%dma_wait3A_429] : memref<8192xf32, #tpu.memory_space<vmem>> -> memref<1024xf32, #tpu.memory_space<vmem>>
    tpu.wait_dma2 semaphore(%dma_wait3A_426 : memref<!tpu.dma_semaphore, #tpu.memory_space<semaphore_mem>>) src(%dma_wait3A_430 : memref<1024xf32, #tpu.memory_space<vmem>>) dst(%dma_wait3A_428 : memref<1024xf32, #tpu.memory_space<hbm>>)
    %dma_wait3A_431 = arith.constant 2 : i32
    %dma_wait3A_432 = arith.constant 6144 : i32
    %dma_wait3A_433 = tpu.memref_slice %arg7[%dma_wait3A_432] : memref<8192xf32, #tpu.memory_space<vmem>> -> memref<1024xf32, #tpu.memory_space<vmem>>
    %dma_wait3A_434 = arith.constant 6144 : i32
    %dma_wait3A_435 = tpu.memref_slice %arg4[%dma_wait3A_434] : memref<6553600xf32, #tpu.memory_space<hbm>> -> memref<1024xf32, #tpu.memory_space<hbm>>
    %dma_wait3A_436 = tpu.memref_slice %arg12[%dma_wait3A_431] : memref<4x!tpu.dma_semaphore, #tpu.memory_space<semaphore_mem>> -> memref<1x!tpu.dma_semaphore, #tpu.memory_space<semaphore_mem>>
    %dma_wait3A_437 = tpu.memref_squeeze %dma_wait3A_436 : memref<1x!tpu.dma_semaphore, #tpu.memory_space<semaphore_mem>> -> memref<!tpu.dma_semaphore, #tpu.memory_space<semaphore_mem>>
    %dma_wait3A_438 = arith.constant 6144 : i32
    %dma_wait3A_439 = tpu.memref_slice %arg4[%dma_wait3A_438] : memref<6553600xf32, #tpu.memory_space<hbm>> -> memref<1024xf32, #tpu.memory_space<hbm>>
    %dma_wait3A_440 = arith.constant 6144 : i32
    %dma_wait3A_441 = tpu.memref_slice %arg7[%dma_wait3A_440] : memref<8192xf32, #tpu.memory_space<vmem>> -> memref<1024xf32, #tpu.memory_space<vmem>>
    tpu.wait_dma2 semaphore(%dma_wait3A_437 : memref<!tpu.dma_semaphore, #tpu.memory_space<semaphore_mem>>) src(%dma_wait3A_441 : memref<1024xf32, #tpu.memory_space<vmem>>) dst(%dma_wait3A_439 : memref<1024xf32, #tpu.memory_space<hbm>>)
    %dma_wait3A_442 = arith.constant 2 : i32
    %dma_wait3A_443 = arith.constant 7168 : i32
    %dma_wait3A_444 = tpu.memref_slice %arg7[%dma_wait3A_443] : memref<8192xf32, #tpu.memory_space<vmem>> -> memref<1024xf32, #tpu.memory_space<vmem>>
    %dma_wait3A_445 = arith.constant 7168 : i32
    %dma_wait3A_446 = tpu.memref_slice %arg4[%dma_wait3A_445] : memref<6553600xf32, #tpu.memory_space<hbm>> -> memref<1024xf32, #tpu.memory_space<hbm>>
    %dma_wait3A_447 = tpu.memref_slice %arg12[%dma_wait3A_442] : memref<4x!tpu.dma_semaphore, #tpu.memory_space<semaphore_mem>> -> memref<1x!tpu.dma_semaphore, #tpu.memory_space<semaphore_mem>>
    %dma_wait3A_448 = tpu.memref_squeeze %dma_wait3A_447 : memref<1x!tpu.dma_semaphore, #tpu.memory_space<semaphore_mem>> -> memref<!tpu.dma_semaphore, #tpu.memory_space<semaphore_mem>>
    %dma_wait3A_449 = arith.constant 7168 : i32
    %dma_wait3A_450 = tpu.memref_slice %arg4[%dma_wait3A_449] : memref<6553600xf32, #tpu.memory_space<hbm>> -> memref<1024xf32, #tpu.memory_space<hbm>>
    %dma_wait3A_451 = arith.constant 7168 : i32
    %dma_wait3A_452 = tpu.memref_slice %arg7[%dma_wait3A_451] : memref<8192xf32, #tpu.memory_space<vmem>> -> memref<1024xf32, #tpu.memory_space<vmem>>
    tpu.wait_dma2 semaphore(%dma_wait3A_448 : memref<!tpu.dma_semaphore, #tpu.memory_space<semaphore_mem>>) src(%dma_wait3A_452 : memref<1024xf32, #tpu.memory_space<vmem>>) dst(%dma_wait3A_450 : memref<1024xf32, #tpu.memory_space<hbm>>)
    return
  }
}

</mosaic_0001>

<sc_bundles>
// kernel: _sc_lookup.3.cloned.1.call-start
scs
__scs_entry_jumppad:
0x0: {  	(pc) =	sbr.rel $0x88, $3  }
0x1: {  	(tag) =	ssettag $0x0;
	lr =	simm.s32 $0x1  }
0x2: {  	[smem:$0x3F9F] =	sst lr;
	_ =	strace $0xD0000000  }
0x3: {  	_ = 	snop  }
0x4: {  	_ = 	snop  }
0x5: {  	_ = 	snop  }
0x6: {  	_ = 	snop  }
0x7: {  	_ = 	snop  }
__scs_overlays_trampoline_lowered:
0x8: {  	[smem:$0x3FAE] =	sst s0  }
0x9: {  	[smem:$0x3FAF] =	sst s1  }
0xa: {  	[smem:$0x3FB0] =	sst s2  }
0xb: {  	[smem:$0x3FB1] =	sst s3  }
0xc: {  	[smem:$0x3FB2] =	sst s4  }
0xd: {  	[smem:$0x3FB3] =	sst s5  }
0xe: {  	[smem:$0x3FB4] =	sst s6  }
0xf: {  	[smem:$0x3FB5] =	sst s7  }
0x10: {  	[smem:$0x3FB6] =	sst s8  }
0x11: {  	[smem:$0x3FB7] =	sst s9;
	s0 =	simm.s32 @!p0 $0x0  }
0x12: {  	s1 =	sld [smem:$0x3F9D];
	s0 =	simm.s32 @p0 $0x1  }
0x13: {  	[smem:$0x3FB8] =	sst s0;
	s0 =	simm.s32 @!p1 $0x0  }
0x14: {  	s2 =	sld [smem:$0x3F9C];
	s0 =	simm.s32 @p1 $0x1  }
0x15: {  	[smem:$0x3FB9] =	sst s0;
	s0 =	simm.s32 @!p2 $0x0  }
0x16: {  	s3 =	sld [smem:$0x3FDB];
	s0 =	simm.s32 @p2 $0x1  }
0x17: {  	s4 =	simm.s32 $0x1BF5;
	[smem:$0x3FBB] =	sst s0  }
0x18: {  	s0 =	sld [smem:$0x3F9E];
	_ =	swait.ge [sflag:s4], $0x0  }
0x19: {  	s7 =	sld [smem:$0x3F9F]  }
0x1a: {  	s8 =	sadd.s32 $0xFFFFE003, lr  }
0x1b: {  	s9 =	sadd.s32 $0xFFFFFEF7, lr;
	s5 =	simm.s32 $0xFFFFFFFF;
	p2 =	slt.u32 s8, $0xFFFFF086  }
0x1c: {  	p1 =	slt.u32 s9, $0xF7A;
	s5 =	simm.s32 @!p2 $0x0  }
0x1d: {  	s5 =	simm.s32 @p1 $0x1;
	p0 =	seq.s32 s7, s2  }
0x1e: {  	s7 =	smul.u32 @!p0 $0xF7A, s2;
	p2 =	seq.s32 @!p0 s5, $0x0  }
0x1f: {  	s9 =	smul.u32 $0xF7A, s1;
	s8 =	simm.s32 @!p0 $0x1BF5;
	p2 =	por !p2, p0  }
0x20: {  	[sflag:s8] =	ssyncset.s32 @!p0 $0xFFFFF086;
	s6 =	sadd.s32 @!p0 s3, s7;
	s7 =	simm.s32 @!p0 $0x108  }
0x21: {  	s3 =	sadd.s32 s3, s9;
	s6 =	sadd.s32 @!p0 $0x88, s6;
	s7 =	simm.s32 @p2 $0x1082  }
0x22: {  	[simem:s7], [sflag:s8] =	dma.local @!p0 [hbm:s6], $0xF7A  }
0x23: {  	s9 =	sor.u32 $0xD0000000, s2;
	s6 =	simm.s32 $0x108;
	_ =	swait.ge @!p0 [sflag:s8], $0x0  }
0x24: {  	s3 =	sadd.s32 $0x88, s3;
	s6 =	simm.s32 @!p1 $0x1082;
	[sflag:s4] =	ssyncset.s32 $0xFFFFF086  }
0x25: {  	[simem:s6], [sflag:s4] =	dma.local [hbm:s3], $0xF7A  }
0x26: {  	[smem:$0x3F9F] =	sst s1;
	(tag) =	ssettag s2;
	_ =	strace s9  }
0x27: {  	s1 =	sld [smem:$0x3FAF]  }
0x28: {  	s2 =	sld [smem:$0x3FB0]  }
0x29: {  	s4 =	sld [smem:$0x3FB2]  }
0x2a: {  	p0 =	seq.s32 s5, $0x0;
	s5 =	sld [smem:$0x3FB3]  }
0x2b: {  	s6 =	sld [smem:$0x3FB4]  }
0x2c: {  	s7 =	sld [smem:$0x3FB5]  }
0x2d: {  	s3 =	simm.s32 $0x108;
	s8 =	sld [smem:$0x3FB6]  }
0x2e: {  	s3 =	simm.s32 @!p0 $0x1082;
	s9 =	sld [smem:$0x3FB7]  }
0x2f: {  	lr =	sadd.s32 s0, s3;
	s0 =	sld [smem:$0x3FAE]  }
0x30: {  	s3 =	sld [smem:$0x3FB1]  }
0x31: {  	[smem:$0x3FBA] =	sst s10  }
0x32: {  	s10 =	sld [smem:$0x3FB8];
	_ =	sdelay $0x3  }
0x33: {  	p0 =	seq.s32 s10, $0x1;
	s10 =	sld [smem:$0x3FBA];
	_ =	sdelay $0x3  }
0x34: {  	[smem:$0x3FBA] =	sst s10  }
0x35: {  	s10 =	sld [smem:$0x3FB9];
	_ =	sdelay $0x3  }
0x36: {  	p1 =	seq.s32 s10, $0x1;
	s10 =	sld [smem:$0x3FBA];
	_ =	sdelay $0x3  }
0x37: {  	[smem:$0x3FBA] =	sst s10  }
0x38: {  	s10 =	sld [smem:$0x3FBB]  }
0x39: {  	_ = 	snop;
	(pc) =	sbr.ind lr, $3  }
0x3a: {  	_ = 	snop  }
0x3b: {  	_ = 	snop  }
0x3c: {  	p2 =	seq.s32 s10, $0x1;
	s10 =	sld [smem:$0x3FBA]  }
0x3d: {  	_ =	shalt  }
0x3e: {  	_ =	shalt  }
0x3f: {  	_ =	shalt  }
0x40: {  	_ =	shalt  }
0x41: {  	_ =	shalt  }
0x42: {  	_ =	shalt  }
0x43: {  	_ =	shalt  }
0x44: {  	_ =	shalt  }
0x45: {  	_ =	shalt  }
0x46: {  	_ =	shalt  }
0x47: {  	_ =	shalt  }
0x48: {  	_ =	shalt  }
0x49: {  	_ =	shalt  }
0x4a: {  	_ =	shalt  }
0x4b: {  	_ =	shalt  }
0x4c: {  	_ =	shalt  }
0x4d: {  	_ =	shalt  }
0x4e: {  	_ =	shalt  }
0x4f: {  	_ =	shalt  }
0x50: {  	_ =	shalt  }
0x51: {  	_ =	shalt  }
0x52: {  	_ =	shalt  }
0x53: {  	_ =	shalt  }
0x54: {  	_ =	shalt  }
0x55: {  	_ =	shalt  }
0x56: {  	_ =	shalt  }
0x57: {  	_ =	shalt  }
0x58: {  	_ =	shalt  }
0x59: {  	_ =	shalt  }
0x5a: {  	_ =	shalt  }
0x5b: {  	_ =	shalt  }
0x5c: {  	_ =	shalt  }
0x5d: {  	_ =	shalt  }
0x5e: {  	_ =	shalt  }
0x5f: {  	_ =	shalt  }
0x60: {  	_ =	shalt  }
0x61: {  	_ =	shalt  }
0x62: {  	_ =	shalt  }
0x63: {  	_ =	shalt  }
0x64: {  	_ =	shalt  }
0x65: {  	_ =	shalt  }
0x66: {  	_ =	shalt  }
0x67: {  	_ =	shalt  }
0x68: {  	_ =	shalt  }
0x69: {  	_ =	shalt  }
0x6a: {  	_ =	shalt  }
0x6b: {  	_ =	shalt  }
0x6c: {  	_ =	shalt  }
0x6d: {  	_ =	shalt  }
0x6e: {  	_ =	shalt  }
0x6f: {  	_ =	shalt  }
0x70: {  	_ =	shalt  }
0x71: {  	_ =	shalt  }
0x72: {  	_ =	shalt  }
0x73: {  	_ =	shalt  }
0x74: {  	_ =	shalt  }
0x75: {  	_ =	shalt  }
0x76: {  	_ =	shalt  }
0x77: {  	_ =	shalt  }
0x78: {  	_ =	shalt  }
0x79: {  	_ =	shalt  }
0x7a: {  	_ =	shalt  }
0x7b: {  	_ =	shalt  }
0x7c: {  	_ =	shalt  }
0x7d: {  	_ =	shalt  }
0x7e: {  	_ =	shalt  }
0x7f: {  	_ =	shalt  }
0x80: {  	_ =	shalt  }
0x81: {  	_ =	shalt  }
0x82: {  	_ =	shalt  }
0x83: {  	_ =	shalt  }
0x84: {  	_ =	shalt  }
0x85: {  	_ =	shalt  }
0x86: {  	_ =	shalt  }
0x87: {  	_ =	shalt  }
.Lfunc_end0:
.L_simem_size_0:
called_computation_lowered:
.L_overlay_start_0:
0x88: {  	s2 =	sld [smem:$0x3FD9]  }
0x89: {  	s3 =	sld [smem:$0x3FFE];
	_ =	sdelay $0x1  }
0x8a: {  	s1 =	srdreg.scid  }
0x8b: {  	s0 =	sand.u32 $0x1, s1  }
0x8c: {  	s18 =	sshll.u32 s0, $0xA;
	s2 =	sadd.s32 s3, s2  }
0x8d: {  	s2 =	sadd.s32 s2, s18  }
0x8e: {  	[smem:$0x3FC6] =	sst s2  }
0x8f: {  	_ = 	snop  }
0x90: {  	s2 =	sld [smem:$0x3FC9]  }
0x91: {  	s19 =	sld [smem:$0x3FC8]  }
0x92: {  	s4 =	sld [smem:$0x3FD0];
	(tm) =	ssettm $0x1  }
0x93: {  	s5 =	sld [smem:$0x3FFB];
	_ =	sdelay $0x3  }
0x94: {  	_ =	strace s5  }
0x95: {  	s5 =	sld [smem:$0x3FFC];
	_ =	sdelay $0x3  }
0x96: {  	_ =	strace s5  }
0x97: {  	s5 =	sld [smem:$0x3FFD];
	_ =	sdelay $0x3  }
0x98: {  	_ =	strace s5  }
0x99: {  	_ =	strace $0x8FFFFFFF  }
0x9a: {  	s20 =	sld [smem:$0x3FDB];
	_ =	sdelay $0x1  }
0x9b: {  	s6 =	simm.s32 $_scs_section_size  }
0x9c: {  	s7 =	simm.s32 $_size__tile_overlayer_lowered;
	s8 =	simm.s32 $_tile_overlayer_lowered  }
0x9d: {  	s23 =	simm.s32 $0x1BFF;
	s22 =	sshll.u32 s8, $0x1;
	s5 =	sadd.s32 s6, s20  }
0x9e: {  	s9 =	simm.s32 $0x0;
	s21 =	sshll.u32 s7, $0x1;
	s7 =	sadd.s32 s22, s5  }
0x9f: {  	[timem:s9], [sflag:s23] =	dma.local [hbm:s7], s21  }
0xa0: {  	_ =	swait.ge [sflag:s23], s21  }
0xa1: {  	s6 =	ssub.s32 $0x0, s21;
	[sflag:s23] =	ssyncset.done $0x0  }
0xa2: {  	[sflag:s23] =	ssyncadd.s32 s6;
	_ =	sdelay $0x1  }
0xa3: {  	s24 =	simm.s32 $0x1B8B  }
0xa4: {  	_ =	swait.ge [sflag:s24], $0x1  }
0xa5: {  	[sflag:s24] =	ssyncset.done $0x0  }
0xa6: {  	s25 =	simm.s32 $0x1B8E;
	[sflag:s24] =	ssyncadd.s32 $0xFFFFFFFF  }
0xa7: {  	s26 =	simm.s32 $execute0_lowered;
	[smem:$0x3FD2] =	sst s25  }
0xa8: {  	s6 =	sshll.u32 s26, $0x1;
	_ =	strace $0x80000046;
	[dreg:$0x1] =	wrdreg $0xFFFFFFFF  }
0xa9: {  	s28 =	simm.s32 $_size_execute0_lowered;
	s5 =	sadd.s32 s5, s6;
	[dreg:$0x0] =	wrdreg $0x0  }
0xaa: {  	s6 =	sshll.u32 s28, $0x1;
	[dreg:$0x2] =	wrdreg s5  }
0xab: {  	[dreg:$0x3] =	wrdreg s6  }
0xac: {  	[dreg:$0x4] =	wrdreg $0xC0  }
0xad: {  	_ =	task [dreg:s9], $0x5FFFF  }
0xae: {  	[dreg:$0x1] =	wrdreg $0xFFFFFFFF  }
0xaf: {  	[dreg:$0x0] =	wrdreg $0x60  }
0xb0: {  	[dreg:$0x2] =	wrdreg s2  }
0xb1: {  	[dreg:$0x3] =	wrdreg s19  }
0xb2: {  	[dreg:$0x4] =	wrdreg s4  }
0xb3: {  	[dreg:$0x5] =	wrdreg $0x9  }
0xb4: {  	_ =	task.clear_ibuf [dreg:s9], $0x6FFFF;
	_ =	strace $0x90000046  }
0xb5: {  	s29 =	simm.s32 $0x9;
	_ =	strace $0x80000048  }
0xb6: {  	_ =	swait.ge [sflag:s29], $0x1  }
0xb7: {  	[sflag:s29] =	ssyncadd.s32 $0xFFFFFFFF  }
0xb8: {  	_ =	strace $0x90000048  }
0xb9: {  	_ =	sfence  }
0xba: {  	s30 =	sld [smem:$0x0];
	_ =	sdelay $0x2  }
0xbb: {  	s31 =	sshll.u32 s1, $0xD;
	s1 =	sshrl.u32 s1, $0x2  }
0xbc: {  	s3 =	sand.u32 $0x4000, s31;
	s1 =	sadd.s32 s1, s30  }
0xbd: {  	s0 =	sor.u32 s3, s0;
	s1 =	sshll.u32 s1, $0x11  }
0xbe: {  	s0 =	sor.u32 s1, s0  }
0xbf: {  	s0 =	sadd.s32 $0x8F2B, s0  }
0xc0: {  	[sflag:s0] =	ssyncadd.remote.s32 $0x1  }
0xc1: {  	_ =	sfence.sel $0xFFFF  }
0xc2: {  	[dreg:$0x0] =	wrdreg $0xFFFFFFFF;
	(pc) =	sbr.abs _section_cstart, $3  }
0xc3: {  	[dreg:$0x1] =	wrdreg $0xFFFFFFFF  }
0xc4: {  	_ =	task.clear_ibuf [dreg:s9], $0x2FFFF;
	_ =	strace $0x9FFFFFFF  }
0xc5: {  	(tm) =	ssettm $0x7FFFFFFF  }
tec
execute0_lowered:
.L_overlay_start_1:
0x0: {  	(tag) =	ssettag $0x1  }
0x1: {  	s3 =	rddreg [dreg:$0x0]  }
0x2: {  	s6 =	rddreg [dreg:$0x1]  }
0x3: {  	s8 =	rddreg [dreg:$0x2];
	s0 =	srdreg.scid  }
0x4: {  	s1 =	stileid.u32;
	s5 =	simm.s32 $0x0;
	s0 =	sand.u32 $0x1, s0  }
0x5: {  	s1 =	sshll.u32 s1, $0x1;
	[smem:$0x7FF] =	sst s5;
	s3 =	sadd.s32 $0x2, s3  }
0x6: {  	s12 =	sadd.s32 $0x1000, s8;
	s13 =	sadd.s32 $0x2000, s8;
	s14 =	sadd.s32 $0x3000, s8  }
0x7: {  	s2 =	ssub.s32 $0x2, s0;
	s0 =	sor.u32 s0, s1;
	_ =	strace $0x80000047  }
0x8: {  	[dreg:$0x6] =	wrdreg s3;
	s17 =	sshrl.u32 s2, $0x1;
	s4 =	sshll.u32 s0, $0x9  }
0x9: {  	s18 =	sshll.u32 s0, $0x2;
	s11 =	sshll.u32 s0, $0x7;
	s4 =	sadd.s32 s6, s4  }
0xa: {  	s1 =	ssub.s32 s2, s17;
	s2 =	sor.u32 $0x180, s18;
	[dreg:$0x4] =	wrdreg s4  }
0xb: {  	s0 =	sadd.s32 s11, s8;
	s4 =	sadd.s32 $0x4000, s4;
	[dreg:$0x7] =	wrdreg s2  }
0xc: {  	s15 =	sadd.s32 $0x4000, s8;
	s19 =	sadd.s32 $0xC0000, s0;
	[dreg:$0x5] =	wrdreg s4  }
0xd: {  	s16 =	sadd.s32 $0x5000, s8;
	s20 =	sadd.s32 $0xC1000, s0;
	[dreg:$0x8] =	wrdreg s19  }
0xe: {  	s28 =	sadd.s32 $0x7000, s8;
	s21 =	sadd.s32 $0xC2000, s0;
	[dreg:$0x9] =	wrdreg s20  }
0xf: {  	s29 =	sadd.s32 $0x8000, s8;
	s22 =	sadd.s32 $0xC3000, s0;
	[dreg:$0xa] =	wrdreg s21  }
0x10: {  	s30 =	sadd.s32 $0x9000, s8;
	s23 =	sadd.s32 $0xC4000, s0;
	[dreg:$0xb] =	wrdreg s22  }
0x11: {  	s31 =	sadd.s32 $0xA000, s8;
	s24 =	sadd.s32 $0xC5000, s0;
	[dreg:$0xc] =	wrdreg s23  }
0x12: {  	s7 =	sadd.s32 $0xE000, s8;
	s25 =	sadd.s32 $0xC6000, s0;
	[dreg:$0xd] =	wrdreg s24  }
0x13: {  	v0 =	vlaneseq.u32;
	s9 =	sor.u32 $0x100, s18;
	s0 =	sadd.s32 $0xC7000, s0;
	[dreg:$0xe] =	wrdreg s25  }
0x14: {  	v1 =	vshrl.u32 v0, $0x1;
	v4 =	vand.u32 $0x1, v0;
	s17 =	simm.s32 $0x2;
	s26 =	smax.u32 s1, $0x1;
	[dreg:$0xf] =	wrdreg s0  }
0x15: {  	v0 =	vmul.u32 $0x2, v1;
	v1 =	vmul.u32 $0x2, v4;
	s1 =	sadd.s32 $0xC000, s8;
	s2 =	sadd.s32 $0xD000, s8;
	[dreg:$0x10] =	wrdreg s26  }
0x16: {  	s26 =	sadd.s32 $0x6000, s8;
	s0 =	sadd.s32 $0xB000, s8;
	s8 =	sadd.s32 $0xF000, s8  }
0x17: {  	v4 =	vor.u32 $0x4, v4;
	v2 =	vor.u32 $0x1, v0;
	v3 =	vor.u32 $0x1, v1;
	s21 =	simm.s32 $0x1;
	s22 =	simm.s32 $0x6000;
	s4 =	simm.s32 $0x0  }
.LBB2_1:
0x18: {  	[dreg:$0x11] =	wrdreg s4  }
0x19: {  	s3 =	rddreg [dreg:$0x4]  }
0x1a: {  	[tilespmem:s5], [sflag:$0x1] =	stream.linear.gather [hbm4b:s3+s5], $0x1000, $0x38;
	[tilespmem:$0x6180] =	vst v63  }
0x1b: {  	s19 =	rddreg [dreg:$0x5];
	s20 =	simm.s32 $0x1000  }
0x1c: {  	[tilespmem:s20], [sflag:$0x2] =	stream.linear.gather [hbm4b:s19+s5], $0x1000, $0x38;
	[tilespmem:$0x6180] =	vst v63  }
0x1d: {  	s23 =	rddreg [dreg:$0x0];
	s24 =	simm.s32 $0x6080;
	s6 =	simm.s32 $0x5  }
0x1e: {  	[tilespmem:s24], [sflag:$0x5] =	stream.linear.gather [hbm4b:s23+s5], $0x10, $0x38;
	[tilespmem:$0x6180] =	vst v63  }
0x1f: {  	_ =	swait.ge [sflag:s6], $0x10  }
0x20: {  	[sflag:s6] =	ssyncset.done $0x0  }
0x21: {  	s10 =	simm.s32 $0x6100;
	s25 =	rddreg [dreg:$0x6];
	[sflag:s6] =	ssyncadd.s32 $0xFFFFFFF0  }
0x22: {  	[tilespmem:s10], [sflag:$0x5] =	stream.linear.gather [hbm4b:s25+s5], $0x10, $0x38;
	[tilespmem:$0x6180] =	vst v63  }
0x23: {  	_ =	swait.ge [sflag:s6], $0x10  }
0x24: {  	[sflag:s6] =	ssyncset.done $0x0  }
0x25: {  	[sflag:s6] =	ssyncadd.s32 $0xFFFFFFF0  }
0x26: {  	v5 =	vld.idx.msk [tilespmem:v0+s24+$0x0], $0xffff  }
0x27: {  	v6 =	vld.idx.msk [tilespmem:v2+s24+$0x0], $0xffff  }
0x28: {  	v7 =	vld.idx.msk [tilespmem:v1+s10+$0x0], $0xffff  }
0x29: {  	v8 =	vld.idx.msk [tilespmem:v3+s10+$0x0], $0xffff;
	_ =	sdelay $0x3  }
0x2a: {  	v9 =	vld.idx.msk [tilespmem:v4+s10+$0x0], $0xffff  }
0x2b: {  	v5 =	vmul.f32 v7, v5;
	v6 =	vmul.f32 v8, v6;
	_ =	sdelay $0x1  }
0x2c: {  	v5 =	vadd.f32 v6, v5;
	_ =	sdelay $0x1  }
0x2d: {  	v5 =	vadd.f32 v5, v9;
	_ =	sdelay $0x1  }
0x2e: {  	s24 =	simm.s32 $0x0;
	[tilespmem:$0x6000] =	vst v5  }
.LBB2_2:
0x2f: {  	_ =	swait.ge [sflag:s21], $0x1000  }
0x30: {  	p0 =	seq.s32 s24, $0x0;
	[sflag:s21] =	ssyncset.done $0x0  }
0x31: {  	s4 =	simm.s32 @!p0 $0x3;
	[sflag:s21] =	ssyncadd.s32 $0xFFFFF000  }
0x32: {  	_ =	swait.ge @!p0 [sflag:s4], $0x400  }
0x33: {  	[sflag:s4] =	ssyncset.done @!p0 $0x0  }
0x34: {  	[sflag:s4] =	ssyncadd.s32 @!p0 $0xFFFFFC00  }
0x35: {  	_ =	swait.ge @!p0 [sflag:s4], $0x400  }
0x36: {  	[sflag:s4] =	ssyncset.done @!p0 $0x0  }
0x37: {  	[sflag:s4] =	ssyncadd.s32 @!p0 $0xFFFFFC00  }
0x38: {  	_ =	swait.ge @!p0 [sflag:s4], $0x400  }
0x39: {  	[sflag:s4] =	ssyncset.done @!p0 $0x0  }
0x3a: {  	[sflag:s4] =	ssyncadd.s32 @!p0 $0xFFFFFC00  }
0x3b: {  	_ =	swait.ge @!p0 [sflag:s4], $0x400  }
0x3c: {  	[sflag:s4] =	ssyncset.done @!p0 $0x0  }
0x3d: {  	[sflag:s4] =	ssyncadd.s32 @!p0 $0xFFFFFC00  }
0x3e: {  	_ =	swait.ge @!p0 [sflag:s4], $0x400  }
0x3f: {  	[sflag:s4] =	ssyncset.done @!p0 $0x0  }
0x40: {  	[sflag:s4] =	ssyncadd.s32 @!p0 $0xFFFFFC00  }
0x41: {  	_ =	swait.ge @!p0 [sflag:s4], $0x400  }
0x42: {  	[sflag:s4] =	ssyncset.done @!p0 $0x0  }
0x43: {  	[sflag:s4] =	ssyncadd.s32 @!p0 $0xFFFFFC00  }
0x44: {  	_ =	swait.ge @!p0 [sflag:s4], $0x400  }
0x45: {  	[sflag:s4] =	ssyncset.done @!p0 $0x0  }
0x46: {  	[sflag:s4] =	ssyncadd.s32 @!p0 $0xFFFFFC00  }
0x47: {  	_ =	swait.ge @!p0 [sflag:s4], $0x400  }
0x48: {  	[sflag:s4] =	ssyncset.done @!p0 $0x0  }
0x49: {  	s20 =	simm.s32 $0x40;
	[sflag:s4] =	ssyncadd.s32 @!p0 $0xFFFFFC00  }
0x4a: {  	v5 =	vld [tilespmem:s20+$0x30]  }
0x4b: {  	v6 =	vld [tilespmem:s20+$0xFFFFFFD0];
	_ =	sdelay $0x1  }
0x4c: {  	v7 =	vld [tilespmem:s20+$0xFFFFFFE0]  }
0x4d: {  	v8 =	vld [tilespmem:s20+$0xFFFFFFF0]  }
0x4e: {  	v9 =	vld [tilespmem:s20+$0x0];
	v11 =	vshll.u32 v5, $0x1  }
0x4f: {  	v10 =	vld [tilespmem:s20+$0x10];
	v12 =	vshll.u32 v6, $0x1  }
0x50: {  	v14 =	vld [tilespmem:s20+$0xFFFFFFC0];
	v13 =	vor.u32 $0x1, v11  }
0x51: {  	v16 =	vshll.u32 v7, $0x1;
	v15 =	vor.u32 $0x1, v12  }
0x52: {  	v7 =	vld [tilespmem:s20+$0x20];
	v18 =	vshll.u32 v8, $0x1;
	v17 =	vor.u32 $0x1, v16  }
0x53: {  	v5 =	vshll.u32 v9, $0x1;
	v8 =	vor.u32 $0x1, v18;
	v11 =	vld.idx.msk [tilespmem:v11+s22+$0x0], $0xffff  }
0x54: {  	v6 =	vshll.u32 v10, $0x1;
	v9 =	vor.u32 $0x1, v5;
	v12 =	vld.idx.msk [tilespmem:v12+s22+$0x0], $0xffff  }
0x55: {  	v19 =	vshll.u32 v14, $0x1;
	v10 =	vor.u32 $0x1, v6;
	v13 =	vld.idx.msk [tilespmem:v13+s22+$0x0], $0xffff  }
0x56: {  	v14 =	vld.idx.msk [tilespmem:v15+s22+$0x0], $0xffff;
	v15 =	vor.u32 $0x1, v19  }
0x57: {  	v17 =	vld.idx.msk [tilespmem:v17+s22+$0x0], $0xffff  }
0x58: {  	v7 =	vshll.u32 v7, $0x1;
	v21 =	vld.idx.msk [tilespmem:v8+s22+$0x0], $0xffff  }
0x59: {  	s25 =	simm.s32 $0x0;
	v20 =	vor.u32 $0x1, v7;
	v9 =	vld.idx.msk [tilespmem:v9+s22+$0x0], $0xffff  }
0x5a: {  	s23 =	sand.u32 $0x1C00, s25;
	s6 =	sand.u32 $0x300, s25;
	v8 =	vld.idx.msk [tilespmem:v10+s22+$0x0], $0xffff  }
0x5b: {  	s6 =	sor.u32 s6, s23;
	v15 =	vld.idx.msk [tilespmem:v15+s22+$0x0], $0xffff  }
0x5c: {  	[tilespmem:s6+$0x20F0] =	vst v13;
	v13 =	vld.idx.msk [tilespmem:v16+s22+$0x0], $0xffff  }
0x5d: {  	[tilespmem:s6+$0x2090] =	vst v14;
	v16 =	vld.idx.msk [tilespmem:v19+s22+$0x0], $0xffff  }
0x5e: {  	s18 =	sshll.u32 s24, $0x10;
	v10 =	vld.idx.msk [tilespmem:v20+s22+$0x0], $0xffff;
	[tilespmem:s6+$0x20A0] =	vst v17  }
0x5f: {  	s19 =	simm.s32 $0xC0;
	s4 =	simm.s32 $0x0;
	s20 =	simm.s32 $0x0;
	v14 =	vld.idx.msk [tilespmem:v18+s22+$0x0], $0xffff;
	[tilespmem:s6+$0x20B0] =	vst v21  }
.LBB2_3:
0x60: {  	v17 =	vld [tilespmem:s19+$0x30];
	s20 =	sadd.s32 $0x8, s20;
	[tilespmem:s6+$0x2080] =	vst v15  }
0x61: {  	v15 =	vld [tilespmem:s19+$0xFFFFFFD0];
	p1 =	slt.u32 s20, $0xF8;
	[tilespmem:s6+$0x2070] =	vst v11  }
0x62: {  	v11 =	vld [tilespmem:s19+$0xFFFFFFE0];
	[tilespmem:s6+$0x2000] =	vst v16  }
0x63: {  	v16 =	vld [tilespmem:s19+$0xFFFFFFF0];
	[tilespmem:s6+$0x2010] =	vst v12  }
0x64: {  	v12 =	vld [tilespmem:s19+$0x0];
	[tilespmem:s6+$0x2020] =	vst v13  }
0x65: {  	v13 =	vld [tilespmem:s19+$0x10];
	v17 =	vshll.u32 v17, $0x1;
	[tilespmem:s6+$0x2030] =	vst v14  }
0x66: {  	v14 =	vshll.u32 v15, $0x1;
	v15 =	vld [tilespmem:s19+$0x20];
	v18 =	vor.u32 $0x1, v17  }
0x67: {  	v19 =	vld [tilespmem:s19+$0xFFFFFFC0];
	v20 =	vor.u32 $0x1, v14;
	v21 =	vshll.u32 v11, $0x1  }
0x68: {  	v11 =	vor.u32 $0x1, v21;
	v22 =	vshll.u32 v16, $0x1;
	v16 =	vld.idx.msk [tilespmem:v5+s22+$0x0], $0xffff;
	[tilespmem:s6+$0x20C0] =	vst v9  }
0x69: {  	v9 =	vor.u32 $0x1, v22;
	v5 =	vshll.u32 v12, $0x1;
	v12 =	vld.idx.msk [tilespmem:v6+s22+$0x0], $0xffff;
	[tilespmem:s6+$0x20D0] =	vst v8  }
0x6a: {  	v8 =	vor.u32 $0x1, v5;
	v6 =	vshll.u32 v13, $0x1;
	v13 =	vld.idx.msk [tilespmem:v7+s22+$0x0], $0xffff;
	[tilespmem:s6+$0x20E0] =	vst v10  }
0x6b: {  	v10 =	vor.u32 $0x1, v6;
	v7 =	vshll.u32 v15, $0x1;
	v15 =	vld.idx.msk [tilespmem:v18+s22+$0x0], $0xffff  }
0x6c: {  	v18 =	vshll.u32 v19, $0x1;
	v19 =	vld.idx.msk [tilespmem:v20+s22+$0x0], $0xffff;
	v20 =	vor.u32 $0x1, v7  }
0x6d: {  	v23 =	vor.u32 $0x1, v18;
	v24 =	vld.idx.msk [tilespmem:v11+s22+$0x0], $0xffff  }
0x6e: {  	s25 =	sadd.s32 $0x20, s25;
	s4 =	sadd.s32 $0x400, s4;
	v25 =	vld.idx.msk [tilespmem:v9+s22+$0x0], $0xffff;
	[tilespmem:s6+$0x2040] =	vst v16  }
0x6f: {  	s23 =	sand.u32 $0x1C00, s4;
	s3 =	sand.u32 $0x300, s25;
	v9 =	vld.idx.msk [tilespmem:v8+s22+$0x0], $0xffff;
	[tilespmem:s6+$0x2050] =	vst v12  }
0x70: {  	v8 =	vld.idx.msk [tilespmem:v10+s22+$0x0], $0xffff;
	[tilespmem:s6+$0x2060] =	vst v13;
	s6 =	sor.u32 s3, s23  }
0x71: {  	v11 =	vld.idx.msk [tilespmem:v17+s22+$0x0], $0xffff;
	[tilespmem:s6+$0x20F0] =	vst v15  }
0x72: {  	v15 =	vld.idx.msk [tilespmem:v23+s22+$0x0], $0xffff  }
.Ltmp0:
0x73: {  	v10 =	vld.idx.msk [tilespmem:v20+s22+$0x0], $0xffff;
	(pc) =	sbr.rel @p1 .LBB2_3-.Ltmp0, $4  }
0x74: {  	v16 =	vld.idx.msk [tilespmem:v18+s22+$0x0], $0xffff  }
0x75: {  	v12 =	vld.idx.msk [tilespmem:v14+s22+$0x0], $0xffff;
	[tilespmem:s6+$0x2090] =	vst v19  }
0x76: {  	v13 =	vld.idx.msk [tilespmem:v21+s22+$0x0], $0xffff;
	[tilespmem:s6+$0x20A0] =	vst v24  }
0x77: {  	s19 =	sadd.s32 $0x80, s19;
	v14 =	vld.idx.msk [tilespmem:v22+s22+$0x0], $0xffff;
	[tilespmem:s6+$0x20B0] =	vst v25  }
0x78: {  	_ =	sdelay $0x1  }
0x79: {  	[tilespmem:s6+$0x2080] =	vst v15  }
0x7a: {  	[tilespmem:s6+$0x2070] =	vst v11  }
0x7b: {  	v5 =	vld.idx.msk [tilespmem:v5+s22+$0x0], $0xffff;
	[tilespmem:s6+$0x20C0] =	vst v9  }
0x7c: {  	v6 =	vld.idx.msk [tilespmem:v6+s22+$0x0], $0xffff;
	[tilespmem:s6+$0x20D0] =	vst v8  }
0x7d: {  	v7 =	vld.idx.msk [tilespmem:v7+s22+$0x0], $0xffff;
	[tilespmem:s6+$0x20E0] =	vst v10  }
0x7e: {  	[tilespmem:s6+$0x2000] =	vst v16  }
0x7f: {  	[tilespmem:s6+$0x2010] =	vst v12  }
0x80: {  	[tilespmem:s6+$0x2020] =	vst v13  }
0x81: {  	[tilespmem:s6+$0x2030] =	vst v14  }
0x82: {  	[tilespmem:s6+$0x2040] =	vst v5  }
0x83: {  	s25 =	sor.u32 s11, s18;
	s3 =	rddreg [dreg:$0x2];
	[tilespmem:s6+$0x2050] =	vst v6  }
0x84: {  	s4 =	simm.s32 $0x2000;
	s3 =	sadd.s32 s3, s25;
	[tilespmem:s6+$0x2060] =	vst v7  }
0x85: {  	[hbm4b:s3+s5] =	stream.linear.scatter [tilespmem:s4], [sflag:$0x3], $0x400, $0x38;
	[tilespmem:$0x6180] =	vst v63  }
0x86: {  	s23 =	simm.s32 $0x2400;
	s20 =	sadd.s32 s25, s12  }
0x87: {  	[hbm4b:s20+s5] =	stream.linear.scatter [tilespmem:s23], [sflag:$0x3], $0x400, $0x38;
	[tilespmem:$0x6180] =	vst v63  }
0x88: {  	s10 =	simm.s32 $0x2800;
	s6 =	sadd.s32 s25, s13  }
0x89: {  	[hbm4b:s6+s5] =	stream.linear.scatter [tilespmem:s10], [sflag:$0x3], $0x400, $0x38;
	[tilespmem:$0x6180] =	vst v63  }
0x8a: {  	s19 =	simm.s32 $0x2C00;
	s18 =	sadd.s32 s25, s14  }
0x8b: {  	[hbm4b:s18+s5] =	stream.linear.scatter [tilespmem:s19], [sflag:$0x3], $0x400, $0x38;
	[tilespmem:$0x6180] =	vst v63  }
0x8c: {  	s20 =	sadd.s32 s25, s15;
	s23 =	simm.s32 $0x3000  }
0x8d: {  	[hbm4b:s20+s5] =	stream.linear.scatter [tilespmem:s23], [sflag:$0x3], $0x400, $0x38;
	[tilespmem:$0x6180] =	vst v63  }
0x8e: {  	s6 =	sadd.s32 s25, s16;
	s10 =	simm.s32 $0x3400  }
0x8f: {  	[hbm4b:s6+s5] =	stream.linear.scatter [tilespmem:s10], [sflag:$0x3], $0x400, $0x38;
	[tilespmem:$0x6180] =	vst v63  }
0x90: {  	s6 =	sshll.u32 s24, $0x8  }
0x91: {  	s18 =	sadd.s32 s25, s26;
	s19 =	simm.s32 $0x3800;
	s4 =	sadd.s32 s9, s6  }
0x92: {  	[hbm4b:s18+s5] =	stream.linear.scatter [tilespmem:s19], [sflag:$0x3], $0x400, $0x38;
	[tilespmem:$0x6180] =	vst v63  }
0x93: {  	s20 =	sadd.s32 s25, s28;
	s3 =	sshll.u32 s4, $0x7  }
0x94: {  	s23 =	simm.s32 $0x3C00;
	s10 =	rddreg [dreg:$0x1];
	s3 =	sand.u32 $0x1FFFFE00, s3  }
0x95: {  	[hbm4b:s20+s5] =	stream.linear.scatter [tilespmem:s23], [sflag:$0x3], $0x400, $0x38;
	[tilespmem:$0x6180] =	vst v63  }
0x96: {  	s3 =	sadd.s32 s10, s3  }
0x97: {  	[tilespmem:s5], [sflag:$0x1] =	stream.linear.gather [hbm4b:s3+s5], $0x1000, $0x38;
	[tilespmem:$0x6180] =	vst v63  }
0x98: {  	_ =	swait.ge [sflag:s17], $0x1000  }
0x99: {  	[sflag:s17] =	ssyncset.done $0x0  }
0x9a: {  	s3 =	simm.s32 @!p0 $0x4;
	[sflag:s17] =	ssyncadd.s32 $0xFFFFF000  }
0x9b: {  	_ =	swait.ge @!p0 [sflag:s3], $0x400  }
0x9c: {  	[sflag:s3] =	ssyncset.done @!p0 $0x0  }
0x9d: {  	[sflag:s3] =	ssyncadd.s32 @!p0 $0xFFFFFC00  }
0x9e: {  	_ =	swait.ge @!p0 [sflag:s3], $0x400  }
0x9f: {  	[sflag:s3] =	ssyncset.done @!p0 $0x0  }
0xa0: {  	[sflag:s3] =	ssyncadd.s32 @!p0 $0xFFFFFC00  }
0xa1: {  	_ =	swait.ge @!p0 [sflag:s3], $0x400  }
0xa2: {  	[sflag:s3] =	ssyncset.done @!p0 $0x0  }
0xa3: {  	[sflag:s3] =	ssyncadd.s32 @!p0 $0xFFFFFC00  }
0xa4: {  	_ =	swait.ge @!p0 [sflag:s3], $0x400  }
0xa5: {  	[sflag:s3] =	ssyncset.done @!p0 $0x0  }
0xa6: {  	[sflag:s3] =	ssyncadd.s32 @!p0 $0xFFFFFC00  }
0xa7: {  	_ =	swait.ge @!p0 [sflag:s3], $0x400  }
0xa8: {  	[sflag:s3] =	ssyncset.done @!p0 $0x0  }
0xa9: {  	[sflag:s3] =	ssyncadd.s32 @!p0 $0xFFFFFC00  }
0xaa: {  	_ =	swait.ge @!p0 [sflag:s3], $0x400  }
0xab: {  	[sflag:s3] =	ssyncset.done @!p0 $0x0  }
0xac: {  	[sflag:s3] =	ssyncadd.s32 @!p0 $0xFFFFFC00  }
0xad: {  	_ =	swait.ge @!p0 [sflag:s3], $0x400  }
0xae: {  	[sflag:s3] =	ssyncset.done @!p0 $0x0  }
0xaf: {  	[sflag:s3] =	ssyncadd.s32 @!p0 $0xFFFFFC00  }
0xb0: {  	_ =	swait.ge @!p0 [sflag:s3], $0x400  }
0xb1: {  	[sflag:s3] =	ssyncset.done @!p0 $0x0  }
0xb2: {  	s18 =	simm.s32 $0x1040;
	[sflag:s3] =	ssyncadd.s32 @!p0 $0xFFFFFC00  }
0xb3: {  	v5 =	vld [tilespmem:s18+$0x30]  }
0xb4: {  	v6 =	vld [tilespmem:s18+$0xFFFFFFD0];
	_ =	sdelay $0x1  }
0xb5: {  	v7 =	vld [tilespmem:s18+$0xFFFFFFE0]  }
0xb6: {  	v8 =	vld [tilespmem:s18+$0xFFFFFFF0]  }
0xb7: {  	v9 =	vld [tilespmem:s18+$0x0];
	v11 =	vshll.u32 v5, $0x1  }
0xb8: {  	v10 =	vld [tilespmem:s18+$0x10];
	v12 =	vshll.u32 v6, $0x1  }
0xb9: {  	v14 =	vld [tilespmem:s18+$0xFFFFFFC0];
	v13 =	vor.u32 $0x1, v11  }
0xba: {  	v16 =	vshll.u32 v7, $0x1;
	v15 =	vor.u32 $0x1, v12  }
0xbb: {  	v7 =	vld [tilespmem:s18+$0x20];
	v18 =	vshll.u32 v8, $0x1;
	v17 =	vor.u32 $0x1, v16  }
0xbc: {  	v5 =	vshll.u32 v9, $0x1;
	v8 =	vor.u32 $0x1, v18;
	v11 =	vld.idx.msk [tilespmem:v11+s22+$0x0], $0xffff  }
0xbd: {  	v6 =	vshll.u32 v10, $0x1;
	v9 =	vor.u32 $0x1, v5;
	v12 =	vld.idx.msk [tilespmem:v12+s22+$0x0], $0xffff  }
0xbe: {  	v19 =	vshll.u32 v14, $0x1;
	v10 =	vor.u32 $0x1, v6;
	v13 =	vld.idx.msk [tilespmem:v13+s22+$0x0], $0xffff  }
0xbf: {  	v14 =	vld.idx.msk [tilespmem:v15+s22+$0x0], $0xffff;
	v15 =	vor.u32 $0x1, v19  }
0xc0: {  	v17 =	vld.idx.msk [tilespmem:v17+s22+$0x0], $0xffff  }
0xc1: {  	v7 =	vshll.u32 v7, $0x1;
	v21 =	vld.idx.msk [tilespmem:v8+s22+$0x0], $0xffff  }
0xc2: {  	s20 =	simm.s32 $0x0;
	v20 =	vor.u32 $0x1, v7;
	v9 =	vld.idx.msk [tilespmem:v9+s22+$0x0], $0xffff  }
0xc3: {  	s19 =	sand.u32 $0x1C00, s20;
	s23 =	sand.u32 $0x300, s20;
	v8 =	vld.idx.msk [tilespmem:v10+s22+$0x0], $0xffff  }
0xc4: {  	s18 =	sor.u32 s23, s19;
	v15 =	vld.idx.msk [tilespmem:v15+s22+$0x0], $0xffff  }
0xc5: {  	[tilespmem:s18+$0x4090] =	vst v14;
	v14 =	vld.idx.msk [tilespmem:v16+s22+$0x0], $0xffff  }
0xc6: {  	[tilespmem:s18+$0x40F0] =	vst v13;
	v16 =	vld.idx.msk [tilespmem:v19+s22+$0x0], $0xffff  }
0xc7: {  	v10 =	vld.idx.msk [tilespmem:v20+s22+$0x0], $0xffff;
	[tilespmem:s18+$0x40A0] =	vst v17  }
0xc8: {  	s4 =	simm.s32 $0x10C0;
	s19 =	simm.s32 $0x0;
	s23 =	simm.s32 $0x0;
	v13 =	vld.idx.msk [tilespmem:v18+s22+$0x0], $0xffff;
	[tilespmem:s18+$0x40B0] =	vst v21  }
.LBB2_5:
0xc9: {  	v17 =	vld [tilespmem:s4+$0x30];
	s19 =	sadd.s32 $0x8, s19;
	[tilespmem:s18+$0x4080] =	vst v15  }
0xca: {  	v15 =	vld [tilespmem:s4+$0xFFFFFFD0];
	p0 =	slt.u32 s19, $0xF8;
	[tilespmem:s18+$0x4070] =	vst v11  }
0xcb: {  	v11 =	vld [tilespmem:s4+$0xFFFFFFE0];
	[tilespmem:s18+$0x4000] =	vst v16  }
0xcc: {  	v16 =	vld [tilespmem:s4+$0xFFFFFFF0];
	[tilespmem:s18+$0x4010] =	vst v12  }
0xcd: {  	v12 =	vld [tilespmem:s4+$0x0];
	[tilespmem:s18+$0x4020] =	vst v14  }
0xce: {  	v14 =	vld [tilespmem:s4+$0x10];
	v17 =	vshll.u32 v17, $0x1;
	[tilespmem:s18+$0x4030] =	vst v13  }
0xcf: {  	v13 =	vshll.u32 v15, $0x1;
	v15 =	vld [tilespmem:s4+$0x20];
	v18 =	vor.u32 $0x1, v17  }
0xd0: {  	v19 =	vld [tilespmem:s4+$0xFFFFFFC0];
	v20 =	vor.u32 $0x1, v13;
	v21 =	vshll.u32 v11, $0x1  }
0xd1: {  	v11 =	vor.u32 $0x1, v21;
	v22 =	vshll.u32 v16, $0x1;
	v16 =	vld.idx.msk [tilespmem:v5+s22+$0x0], $0xffff;
	[tilespmem:s18+$0x40C0] =	vst v9  }
0xd2: {  	v9 =	vor.u32 $0x1, v22;
	v5 =	vshll.u32 v12, $0x1;
	v12 =	vld.idx.msk [tilespmem:v6+s22+$0x0], $0xffff;
	[tilespmem:s18+$0x40D0] =	vst v8  }
0xd3: {  	v8 =	vor.u32 $0x1, v5;
	v6 =	vshll.u32 v14, $0x1;
	v14 =	vld.idx.msk [tilespmem:v7+s22+$0x0], $0xffff;
	[tilespmem:s18+$0x40E0] =	vst v10  }
0xd4: {  	v10 =	vor.u32 $0x1, v6;
	v7 =	vshll.u32 v15, $0x1;
	v15 =	vld.idx.msk [tilespmem:v18+s22+$0x0], $0xffff  }
0xd5: {  	v18 =	vshll.u32 v19, $0x1;
	v19 =	vld.idx.msk [tilespmem:v20+s22+$0x0], $0xffff;
	v20 =	vor.u32 $0x1, v7  }
0xd6: {  	v23 =	vor.u32 $0x1, v18;
	v24 =	vld.idx.msk [tilespmem:v11+s22+$0x0], $0xffff  }
0xd7: {  	s20 =	sadd.s32 $0x20, s20;
	s23 =	sadd.s32 $0x400, s23;
	v25 =	vld.idx.msk [tilespmem:v9+s22+$0x0], $0xffff;
	[tilespmem:s18+$0x4040] =	vst v16  }
0xd8: {  	s3 =	sand.u32 $0x1C00, s23;
	s10 =	sand.u32 $0x300, s20;
	v9 =	vld.idx.msk [tilespmem:v8+s22+$0x0], $0xffff;
	[tilespmem:s18+$0x4050] =	vst v12  }
0xd9: {  	v8 =	vld.idx.msk [tilespmem:v10+s22+$0x0], $0xffff;
	[tilespmem:s18+$0x4060] =	vst v14;
	s18 =	sor.u32 s10, s3  }
0xda: {  	v11 =	vld.idx.msk [tilespmem:v17+s22+$0x0], $0xffff;
	[tilespmem:s18+$0x40F0] =	vst v15  }
0xdb: {  	v15 =	vld.idx.msk [tilespmem:v23+s22+$0x0], $0xffff  }
.Ltmp1:
0xdc: {  	v10 =	vld.idx.msk [tilespmem:v20+s22+$0x0], $0xffff;
	(pc) =	sbr.rel @p0 .LBB2_5-.Ltmp1, $4  }
0xdd: {  	v16 =	vld.idx.msk [tilespmem:v18+s22+$0x0], $0xffff  }
0xde: {  	v12 =	vld.idx.msk [tilespmem:v13+s22+$0x0], $0xffff;
	[tilespmem:s18+$0x4090] =	vst v19  }
0xdf: {  	v14 =	vld.idx.msk [tilespmem:v21+s22+$0x0], $0xffff;
	[tilespmem:s18+$0x40A0] =	vst v24  }
0xe0: {  	s4 =	sadd.s32 $0x80, s4;
	v13 =	vld.idx.msk [tilespmem:v22+s22+$0x0], $0xffff;
	[tilespmem:s18+$0x40B0] =	vst v25  }
0xe1: {  	_ =	sdelay $0x1  }
0xe2: {  	[tilespmem:s18+$0x4080] =	vst v15  }
0xe3: {  	[tilespmem:s18+$0x4070] =	vst v11  }
0xe4: {  	v5 =	vld.idx.msk [tilespmem:v5+s22+$0x0], $0xffff;
	[tilespmem:s18+$0x40C0] =	vst v9  }
0xe5: {  	v6 =	vld.idx.msk [tilespmem:v6+s22+$0x0], $0xffff;
	[tilespmem:s18+$0x40D0] =	vst v8  }
0xe6: {  	v7 =	vld.idx.msk [tilespmem:v7+s22+$0x0], $0xffff;
	[tilespmem:s18+$0x40E0] =	vst v10  }
0xe7: {  	[tilespmem:s18+$0x4000] =	vst v16  }
0xe8: {  	[tilespmem:s18+$0x4010] =	vst v12  }
0xe9: {  	[tilespmem:s18+$0x4020] =	vst v14  }
0xea: {  	[tilespmem:s18+$0x4030] =	vst v13  }
0xeb: {  	[tilespmem:s18+$0x4040] =	vst v5  }
0xec: {  	[tilespmem:s18+$0x4050] =	vst v6  }
0xed: {  	s3 =	sadd.s32 s25, s29;
	s4 =	simm.s32 $0x4000;
	[tilespmem:s18+$0x4060] =	vst v7  }
0xee: {  	[hbm4b:s3+s5] =	stream.linear.scatter [tilespmem:s4], [sflag:$0x4], $0x400, $0x38;
	[tilespmem:$0x6180] =	vst v63  }
0xef: {  	s20 =	sadd.s32 s25, s30;
	s23 =	simm.s32 $0x4400  }
0xf0: {  	[hbm4b:s20+s5] =	stream.linear.scatter [tilespmem:s23], [sflag:$0x4], $0x400, $0x38;
	[tilespmem:$0x6180] =	vst v63  }
0xf1: {  	s10 =	simm.s32 $0x4800;
	s4 =	sadd.s32 s25, s31  }
0xf2: {  	[hbm4b:s4+s5] =	stream.linear.scatter [tilespmem:s10], [sflag:$0x4], $0x400, $0x38;
	[tilespmem:$0x6180] =	vst v63  }
0xf3: {  	s19 =	simm.s32 $0x4C00;
	s18 =	sadd.s32 s25, s0  }
0xf4: {  	[hbm4b:s18+s5] =	stream.linear.scatter [tilespmem:s19], [sflag:$0x4], $0x400, $0x38;
	[tilespmem:$0x6180] =	vst v63  }
0xf5: {  	s20 =	sadd.s32 s25, s1;
	s23 =	simm.s32 $0x5000  }
0xf6: {  	[hbm4b:s20+s5] =	stream.linear.scatter [tilespmem:s23], [sflag:$0x4], $0x400, $0x38;
	[tilespmem:$0x6180] =	vst v63  }
0xf7: {  	p0 =	seq.s32 s24, $0xB;
	s10 =	sadd.s32 s25, s2;
	s18 =	simm.s32 $0x5400  }
0xf8: {  	[hbm4b:s10+s5] =	stream.linear.scatter [tilespmem:s18], [sflag:$0x4], $0x400, $0x38;
	[tilespmem:$0x6180] =	vst v63  }
.Ltmp2:
0xf9: {  	_ = 	snop;
	(pc) =	sbr.rel @p0 .LBB2_8-.Ltmp2, $4  }
0xfa: {  	s19 =	sadd.s32 s25, s7;
	s20 =	simm.s32 $0x5800  }
0xfb: {  	[hbm4b:s19+s5] =	stream.linear.scatter [tilespmem:s20], [sflag:$0x4], $0x400, $0x38;
	[tilespmem:$0x6180] =	vst v63  }
0xfc: {  	s23 =	sadd.s32 s25, s8;
	s25 =	simm.s32 $0x5C00  }
0xfd: {  	[hbm4b:s23+s5] =	stream.linear.scatter [tilespmem:s25], [sflag:$0x4], $0x400, $0x38;
	[tilespmem:$0x6180] =	vst v63  }
0xfe: {  	s3 =	rddreg [dreg:$0x7]  }
.Ltmp3:
0xff: {  	s3 =	sadd.s32 s3, s6;
	(pc) =	sbr.rel .LBB2_2-.Ltmp3, $4  }
0x100: {  	s3 =	sshll.u32 s3, $0x7  }
0x101: {  	s4 =	rddreg [dreg:$0x1];
	s3 =	sand.u32 $0x1FFFFE00, s3  }
0x102: {  	s25 =	simm.s32 $0x1000;
	s24 =	sadd.s32 $0x1, s24;
	s3 =	sadd.s32 s4, s3  }
0x103: {  	[tilespmem:s25], [sflag:$0x2] =	stream.linear.gather [hbm4b:s3+s5], $0x1000, $0x38;
	[tilespmem:$0x6180] =	vst v63  }
.LBB2_8:
0x104: {  	_ =	swait.ge [sflag:s21], $0x1000  }
0x105: {  	[sflag:s21] =	ssyncset.done $0x0  }
0x106: {  	s23 =	simm.s32 $0x3;
	[sflag:s21] =	ssyncadd.s32 $0xFFFFF000  }
0x107: {  	_ =	swait.ge [sflag:s23], $0x400  }
0x108: {  	[sflag:s23] =	ssyncset.done $0x0  }
0x109: {  	[sflag:s23] =	ssyncadd.s32 $0xFFFFFC00  }
0x10a: {  	_ =	swait.ge [sflag:s23], $0x400  }
0x10b: {  	[sflag:s23] =	ssyncset.done $0x0  }
0x10c: {  	[sflag:s23] =	ssyncadd.s32 $0xFFFFFC00  }
0x10d: {  	_ =	swait.ge [sflag:s23], $0x400  }
0x10e: {  	[sflag:s23] =	ssyncset.done $0x0  }
0x10f: {  	[sflag:s23] =	ssyncadd.s32 $0xFFFFFC00  }
0x110: {  	_ =	swait.ge [sflag:s23], $0x400  }
0x111: {  	[sflag:s23] =	ssyncset.done $0x0  }
0x112: {  	[sflag:s23] =	ssyncadd.s32 $0xFFFFFC00  }
0x113: {  	_ =	swait.ge [sflag:s23], $0x400  }
0x114: {  	[sflag:s23] =	ssyncset.done $0x0  }
0x115: {  	[sflag:s23] =	ssyncadd.s32 $0xFFFFFC00  }
0x116: {  	_ =	swait.ge [sflag:s23], $0x400  }
0x117: {  	[sflag:s23] =	ssyncset.done $0x0  }
0x118: {  	[sflag:s23] =	ssyncadd.s32 $0xFFFFFC00  }
0x119: {  	_ =	swait.ge [sflag:s23], $0x400  }
0x11a: {  	[sflag:s23] =	ssyncset.done $0x0  }
0x11b: {  	[sflag:s23] =	ssyncadd.s32 $0xFFFFFC00  }
0x11c: {  	_ =	swait.ge [sflag:s23], $0x400  }
0x11d: {  	[sflag:s23] =	ssyncset.done $0x0  }
0x11e: {  	s3 =	simm.s32 $0x40;
	[sflag:s23] =	ssyncadd.s32 $0xFFFFFC00  }
0x11f: {  	v5 =	vld [tilespmem:s3+$0x30]  }
0x120: {  	v6 =	vld [tilespmem:s3+$0xFFFFFFD0];
	_ =	sdelay $0x1  }
0x121: {  	v7 =	vld [tilespmem:s3+$0xFFFFFFE0]  }
0x122: {  	v8 =	vld [tilespmem:s3+$0xFFFFFFF0]  }
0x123: {  	v9 =	vld [tilespmem:s3+$0x0];
	v11 =	vshll.u32 v5, $0x1  }
0x124: {  	v10 =	vld [tilespmem:s3+$0x10];
	v12 =	vshll.u32 v6, $0x1  }
0x125: {  	v14 =	vld [tilespmem:s3+$0xFFFFFFC0];
	v13 =	vor.u32 $0x1, v11  }
0x126: {  	v16 =	vshll.u32 v7, $0x1;
	v15 =	vor.u32 $0x1, v12  }
0x127: {  	v7 =	vld [tilespmem:s3+$0x20];
	v18 =	vshll.u32 v8, $0x1;
	v17 =	vor.u32 $0x1, v16  }
0x128: {  	v5 =	vshll.u32 v9, $0x1;
	v8 =	vor.u32 $0x1, v18;
	v11 =	vld.idx.msk [tilespmem:v11+s22+$0x0], $0xffff  }
0x129: {  	v6 =	vshll.u32 v10, $0x1;
	v9 =	vor.u32 $0x1, v5;
	v12 =	vld.idx.msk [tilespmem:v12+s22+$0x0], $0xffff  }
0x12a: {  	v19 =	vshll.u32 v14, $0x1;
	v10 =	vor.u32 $0x1, v6;
	v13 =	vld.idx.msk [tilespmem:v13+s22+$0x0], $0xffff  }
0x12b: {  	v14 =	vld.idx.msk [tilespmem:v15+s22+$0x0], $0xffff;
	v15 =	vor.u32 $0x1, v19  }
0x12c: {  	v17 =	vld.idx.msk [tilespmem:v17+s22+$0x0], $0xffff  }
0x12d: {  	v7 =	vshll.u32 v7, $0x1;
	v21 =	vld.idx.msk [tilespmem:v8+s22+$0x0], $0xffff  }
0x12e: {  	s18 =	simm.s32 $0x0;
	v20 =	vor.u32 $0x1, v7;
	v9 =	vld.idx.msk [tilespmem:v9+s22+$0x0], $0xffff  }
0x12f: {  	s25 =	sand.u32 $0x1C00, s18;
	s4 =	sand.u32 $0x300, s18;
	v8 =	vld.idx.msk [tilespmem:v10+s22+$0x0], $0xffff  }
0x130: {  	s6 =	sor.u32 s4, s25;
	v15 =	vld.idx.msk [tilespmem:v15+s22+$0x0], $0xffff  }
0x131: {  	[tilespmem:s6+$0x2090] =	vst v14;
	v14 =	vld.idx.msk [tilespmem:v16+s22+$0x0], $0xffff  }
0x132: {  	[tilespmem:s6+$0x20F0] =	vst v13;
	v16 =	vld.idx.msk [tilespmem:v19+s22+$0x0], $0xffff  }
0x133: {  	v10 =	vld.idx.msk [tilespmem:v20+s22+$0x0], $0xffff;
	[tilespmem:s6+$0x20A0] =	vst v17  }
0x134: {  	s19 =	simm.s32 $0x0;
	s20 =	simm.s32 $0x0;
	s4 =	simm.s32 $0xC0;
	v13 =	vld.idx.msk [tilespmem:v18+s22+$0x0], $0xffff;
	[tilespmem:s6+$0x20B0] =	vst v21  }
.LBB2_9:
0x135: {  	v17 =	vld [tilespmem:s4+$0x30];
	s19 =	sadd.s32 $0x8, s19;
	[tilespmem:s6+$0x2080] =	vst v15  }
0x136: {  	v15 =	vld [tilespmem:s4+$0xFFFFFFD0];
	p0 =	slt.u32 s19, $0xF8;
	[tilespmem:s6+$0x2070] =	vst v11  }
0x137: {  	v11 =	vld [tilespmem:s4+$0xFFFFFFE0];
	[tilespmem:s6+$0x2000] =	vst v16  }
0x138: {  	v16 =	vld [tilespmem:s4+$0xFFFFFFF0];
	[tilespmem:s6+$0x2010] =	vst v12  }
0x139: {  	v12 =	vld [tilespmem:s4+$0x0];
	[tilespmem:s6+$0x2020] =	vst v14  }
0x13a: {  	v14 =	vld [tilespmem:s4+$0x10];
	v17 =	vshll.u32 v17, $0x1;
	[tilespmem:s6+$0x2030] =	vst v13  }
0x13b: {  	v13 =	vshll.u32 v15, $0x1;
	v15 =	vld [tilespmem:s4+$0x20];
	v18 =	vor.u32 $0x1, v17  }
0x13c: {  	v19 =	vld [tilespmem:s4+$0xFFFFFFC0];
	v20 =	vor.u32 $0x1, v13;
	v21 =	vshll.u32 v11, $0x1  }
0x13d: {  	v11 =	vor.u32 $0x1, v21;
	v22 =	vshll.u32 v16, $0x1;
	v16 =	vld.idx.msk [tilespmem:v5+s22+$0x0], $0xffff;
	[tilespmem:s6+$0x20C0] =	vst v9  }
0x13e: {  	v9 =	vor.u32 $0x1, v22;
	v5 =	vshll.u32 v12, $0x1;
	v12 =	vld.idx.msk [tilespmem:v6+s22+$0x0], $0xffff;
	[tilespmem:s6+$0x20D0] =	vst v8  }
0x13f: {  	v8 =	vor.u32 $0x1, v5;
	v6 =	vshll.u32 v14, $0x1;
	v14 =	vld.idx.msk [tilespmem:v7+s22+$0x0], $0xffff;
	[tilespmem:s6+$0x20E0] =	vst v10  }
0x140: {  	v10 =	vor.u32 $0x1, v6;
	v7 =	vshll.u32 v15, $0x1;
	v15 =	vld.idx.msk [tilespmem:v18+s22+$0x0], $0xffff  }
0x141: {  	v18 =	vshll.u32 v19, $0x1;
	v19 =	vld.idx.msk [tilespmem:v20+s22+$0x0], $0xffff;
	v20 =	vor.u32 $0x1, v7  }
0x142: {  	v23 =	vor.u32 $0x1, v18;
	v24 =	vld.idx.msk [tilespmem:v11+s22+$0x0], $0xffff  }
0x143: {  	s18 =	sadd.s32 $0x20, s18;
	s20 =	sadd.s32 $0x400, s20;
	v25 =	vld.idx.msk [tilespmem:v9+s22+$0x0], $0xffff;
	[tilespmem:s6+$0x2040] =	vst v16  }
0x144: {  	s3 =	sand.u32 $0x1C00, s20;
	s10 =	sand.u32 $0x300, s18;
	v9 =	vld.idx.msk [tilespmem:v8+s22+$0x0], $0xffff;
	[tilespmem:s6+$0x2050] =	vst v12  }
0x145: {  	v8 =	vld.idx.msk [tilespmem:v10+s22+$0x0], $0xffff;
	[tilespmem:s6+$0x2060] =	vst v14;
	s6 =	sor.u32 s10, s3  }
0x146: {  	v11 =	vld.idx.msk [tilespmem:v17+s22+$0x0], $0xffff;
	[tilespmem:s6+$0x20F0] =	vst v15  }
0x147: {  	v15 =	vld.idx.msk [tilespmem:v23+s22+$0x0], $0xffff  }
.Ltmp4:
0x148: {  	v10 =	vld.idx.msk [tilespmem:v20+s22+$0x0], $0xffff;
	(pc) =	sbr.rel @p0 .LBB2_9-.Ltmp4, $4  }
0x149: {  	v16 =	vld.idx.msk [tilespmem:v18+s22+$0x0], $0xffff  }
0x14a: {  	v12 =	vld.idx.msk [tilespmem:v13+s22+$0x0], $0xffff;
	[tilespmem:s6+$0x2090] =	vst v19  }
0x14b: {  	v14 =	vld.idx.msk [tilespmem:v21+s22+$0x0], $0xffff;
	[tilespmem:s6+$0x20A0] =	vst v24  }
0x14c: {  	s4 =	sadd.s32 $0x80, s4;
	v13 =	vld.idx.msk [tilespmem:v22+s22+$0x0], $0xffff;
	[tilespmem:s6+$0x20B0] =	vst v25  }
0x14d: {  	_ =	sdelay $0x1  }
0x14e: {  	[tilespmem:s6+$0x2080] =	vst v15  }
0x14f: {  	[tilespmem:s6+$0x2070] =	vst v11  }
0x150: {  	v5 =	vld.idx.msk [tilespmem:v5+s22+$0x0], $0xffff;
	[tilespmem:s6+$0x20C0] =	vst v9  }
0x151: {  	v6 =	vld.idx.msk [tilespmem:v6+s22+$0x0], $0xffff;
	[tilespmem:s6+$0x20D0] =	vst v8  }
0x152: {  	v7 =	vld.idx.msk [tilespmem:v7+s22+$0x0], $0xffff;
	[tilespmem:s6+$0x20E0] =	vst v10  }
0x153: {  	[tilespmem:s6+$0x2000] =	vst v16  }
0x154: {  	[tilespmem:s6+$0x2010] =	vst v12  }
0x155: {  	[tilespmem:s6+$0x2020] =	vst v14  }
0x156: {  	[tilespmem:s6+$0x2030] =	vst v13  }
0x157: {  	[tilespmem:s6+$0x2040] =	vst v5  }
0x158: {  	[tilespmem:s6+$0x2050] =	vst v6  }
0x159: {  	[tilespmem:s6+$0x2060] =	vst v7  }
0x15a: {  	s4 =	simm.s32 $0x2000;
	s3 =	rddreg [dreg:$0x8]  }
0x15b: {  	[hbm4b:s3+s5] =	stream.linear.scatter [tilespmem:s4], [sflag:$0x3], $0x400, $0x38;
	[tilespmem:$0x6180] =	vst v63  }
0x15c: {  	s25 =	simm.s32 $0x2400;
	s24 =	rddreg [dreg:$0x9]  }
0x15d: {  	[hbm4b:s24+s5] =	stream.linear.scatter [tilespmem:s25], [sflag:$0x3], $0x400, $0x38;
	[tilespmem:$0x6180] =	vst v63  }
0x15e: {  	s6 =	simm.s32 $0x2800;
	s4 =	rddreg [dreg:$0xa]  }
0x15f: {  	[hbm4b:s4+s5] =	stream.linear.scatter [tilespmem:s6], [sflag:$0x3], $0x400, $0x38;
	[tilespmem:$0x6180] =	vst v63  }
0x160: {  	s18 =	simm.s32 $0x2C00;
	s10 =	rddreg [dreg:$0xb]  }
0x161: {  	[hbm4b:s10+s5] =	stream.linear.scatter [tilespmem:s18], [sflag:$0x3], $0x400, $0x38;
	[tilespmem:$0x6180] =	vst v63  }
0x162: {  	s20 =	simm.s32 $0x3000;
	s19 =	rddreg [dreg:$0xc]  }
0x163: {  	[hbm4b:s19+s5] =	stream.linear.scatter [tilespmem:s20], [sflag:$0x3], $0x400, $0x38;
	[tilespmem:$0x6180] =	vst v63  }
0x164: {  	s24 =	rddreg [dreg:$0xd];
	s25 =	simm.s32 $0x3400  }
0x165: {  	[hbm4b:s24+s5] =	stream.linear.scatter [tilespmem:s25], [sflag:$0x3], $0x400, $0x38;
	[tilespmem:$0x6180] =	vst v63  }
0x166: {  	s6 =	rddreg [dreg:$0xe];
	s10 =	simm.s32 $0x3800  }
0x167: {  	[hbm4b:s6+s5] =	stream.linear.scatter [tilespmem:s10], [sflag:$0x3], $0x400, $0x38;
	[tilespmem:$0x6180] =	vst v63  }
0x168: {  	s18 =	rddreg [dreg:$0xf];
	s19 =	simm.s32 $0x3C00;
	s20 =	simm.s32 $0x4  }
0x169: {  	[hbm4b:s18+s5] =	stream.linear.scatter [tilespmem:s19], [sflag:$0x3], $0x400, $0x38;
	[tilespmem:$0x6180] =	vst v63  }
0x16a: {  	_ =	swait.ge [sflag:s20], $0x400  }
0x16b: {  	[sflag:s20] =	ssyncset.done $0x0  }
0x16c: {  	[sflag:s20] =	ssyncadd.s32 $0xFFFFFC00  }
0x16d: {  	_ =	swait.ge [sflag:s20], $0x400  }
0x16e: {  	[sflag:s20] =	ssyncset.done $0x0  }
0x16f: {  	[sflag:s20] =	ssyncadd.s32 $0xFFFFFC00  }
0x170: {  	_ =	swait.ge [sflag:s20], $0x400  }
0x171: {  	[sflag:s20] =	ssyncset.done $0x0  }
0x172: {  	[sflag:s20] =	ssyncadd.s32 $0xFFFFFC00  }
0x173: {  	_ =	swait.ge [sflag:s20], $0x400  }
0x174: {  	[sflag:s20] =	ssyncset.done $0x0  }
0x175: {  	[sflag:s20] =	ssyncadd.s32 $0xFFFFFC00  }
0x176: {  	_ =	swait.ge [sflag:s20], $0x400  }
0x177: {  	[sflag:s20] =	ssyncset.done $0x0  }
0x178: {  	[sflag:s20] =	ssyncadd.s32 $0xFFFFFC00  }
0x179: {  	_ =	swait.ge [sflag:s20], $0x400  }
0x17a: {  	[sflag:s20] =	ssyncset.done $0x0  }
0x17b: {  	[sflag:s20] =	ssyncadd.s32 $0xFFFFFC00  }
0x17c: {  	_ =	swait.ge [sflag:s20], $0x400  }
0x17d: {  	[sflag:s20] =	ssyncset.done $0x0  }
0x17e: {  	[sflag:s20] =	ssyncadd.s32 $0xFFFFFC00  }
0x17f: {  	_ =	swait.ge [sflag:s20], $0x400  }
0x180: {  	[sflag:s20] =	ssyncset.done $0x0  }
0x181: {  	[sflag:s20] =	ssyncadd.s32 $0xFFFFFC00  }
0x182: {  	_ =	swait.ge [sflag:s23], $0x400  }
0x183: {  	[sflag:s23] =	ssyncset.done $0x0  }
0x184: {  	[sflag:s23] =	ssyncadd.s32 $0xFFFFFC00  }
0x185: {  	_ =	swait.ge [sflag:s23], $0x400  }
0x186: {  	[sflag:s23] =	ssyncset.done $0x0  }
0x187: {  	[sflag:s23] =	ssyncadd.s32 $0xFFFFFC00  }
0x188: {  	_ =	swait.ge [sflag:s23], $0x400  }
0x189: {  	[sflag:s23] =	ssyncset.done $0x0  }
0x18a: {  	[sflag:s23] =	ssyncadd.s32 $0xFFFFFC00  }
0x18b: {  	_ =	swait.ge [sflag:s23], $0x400  }
0x18c: {  	[sflag:s23] =	ssyncset.done $0x0  }
0x18d: {  	[sflag:s23] =	ssyncadd.s32 $0xFFFFFC00  }
0x18e: {  	_ =	swait.ge [sflag:s23], $0x400  }
0x18f: {  	[sflag:s23] =	ssyncset.done $0x0  }
0x190: {  	[sflag:s23] =	ssyncadd.s32 $0xFFFFFC00  }
0x191: {  	_ =	swait.ge [sflag:s23], $0x400  }
0x192: {  	[sflag:s23] =	ssyncset.done $0x0  }
0x193: {  	[sflag:s23] =	ssyncadd.s32 $0xFFFFFC00  }
0x194: {  	_ =	swait.ge [sflag:s23], $0x400  }
0x195: {  	[sflag:s23] =	ssyncset.done $0x0  }
0x196: {  	[sflag:s23] =	ssyncadd.s32 $0xFFFFFC00  }
0x197: {  	_ =	swait.ge [sflag:s23], $0x400  }
0x198: {  	s24 =	rddreg [dreg:$0x11]  }
0x199: {  	s25 =	rddreg [dreg:$0x10];
	s4 =	sadd.s32 $0x1, s24  }
0x19a: {  	p0 =	sne.s32 s4, s25  }
.Ltmp5:
0x19b: {  	_ = 	snop;
	(pc) =	sbr.rel @p0 .LBB2_1-.Ltmp5, $3  }
0x19c: {  	_ =	sdelay $0x1  }
0x19d: {  	[sflag:s23] =	ssyncset.done $0x0  }
0x19e: {  	[sflag:s23] =	ssyncadd.s32 $0xFFFFFC00  }
0x19f: {  	_ =	sfence.sel $0x180000  }
0x1a0: {  	[bflag:$0x0] =	sbarrier.arrive $0xFFFF  }
0x1a1: {  	_ =	strace $0x90000047  }
0x1a2: {  	s0 =	stileid.u32;
	[bflag:$0x2] =	sbarrier.arrive $0xFFFF  }
0x1a3: {  	p0 =	sne.s32 s0, $0x0;
	s0 =	rddreg [dreg:$0x3]  }
0x1a4: {  	s0 =	sadd.s32 @!p0 $0x100000, s0  }
0x1a5: {  	[sflag:s0] =	ssyncadd.tile.s32 @!p0 $0x1;
	_ =	shalt  }
.Lfunc_end2:
_tile_overlayer_lowered:
.L_overlay_start_2:
0x1a6: {  	(tag) =	ssettag $0x2  }
0x1a7: {  	s0 =	rddreg [dreg:$0x0];
	s2 =	stileid.u32  }
0x1a8: {  	s1 =	rddreg [dreg:$0x1];
	p0 =	sne.s32 s2, $0x0  }
0x1a9: {  	s3 =	rddreg [dreg:$0x2];
	[bflag:$0x3] =	sbarrier.arrive $0xFFFF;
	s2 =	simm.s32 @!p0 $0x1C05  }
0x1aa: {  	[timem:s3], [sflag:s2] =	dma.local @!p0 [hbm:s0], s1  }
0x1ab: {  	s0 =	simm.s32 @!p0 $0x5  }
0x1ac: {  	_ =	swait.ge @!p0 [sflag:s0], s1  }
0x1ad: {  	s1 =	ssub.s32 @!p0 $0x0, s1;
	[sflag:s0] =	ssyncset.done @!p0 $0x0  }
0x1ae: {  	[sflag:s0] =	ssyncadd.s32 @!p0 s1  }
0x1af: {  	[bflag:$0x3] =	sbarrier.arrive $0xFFFF  }
0x1b0: {  	_ =	shalt  }

</sc_bundles>
